<compile_context>
chip_gen: v7x
topology: tpu7x:2x2x1
jax: 0.10.2.dev20260603
libtpu: 0.0.44.dev20260713+nightly
codegen_flags: <defaults>
</compile_context>

<pallas_src>
import functools

import jax
import jax.numpy as jnp
from jax import lax
from jax.experimental import pallas as pl
from jax.experimental.pallas import tpu as pltpu
from jax.experimental.pallas import tpu_sc as plsc

B = 16384
NDIM = 3
VOCAB = 100000
RANK = 32
K1 = 32
LAMBD = 0.01

_NC = 2
_NS = 16
_NW = _NC * _NS
_BPW = B // _NW
_CHUNK = 128
_NCHUNK = _BPW // _CHUNK


def _sc_gather_body(idx_hbm, t0, t1, t2, t3, t4, t5, out_hbm,
                    idx_v, rows_a, rows_b, sem_a, sem_b):
    tabs = (t0, t1, t2, t3, t4, t5)
    wid = lax.axis_index("s") * _NC + lax.axis_index("c")
    base = wid * _BPW
    pltpu.sync_copy(idx_hbm.at[:, wid], idx_v)
    bufs = (rows_a, rows_b)
    sems = (sem_a, sem_b)
    nk = 6 * _NCHUNK
    specs = [(tabs[t], t % NDIM, j, t * B + base + j * _CHUNK)
             for t in range(6) for j in range(_NCHUNK)]

    def _issue(k):
        tab, dd, j, _ = specs[k]
        return pltpu.async_copy(tab.at[idx_v.at[dd, j]],
                                bufs[k % 2], sems[k % 2])

    inflight = {0: _issue(0), 1: _issue(1)}
    for k in range(nk):
        inflight.pop(k).wait()
        pltpu.sync_copy(bufs[k % 2], out_hbm.at[pl.ds(specs[k][3], _CHUNK)])
        if k + 2 < nk:
            inflight[k + 2] = _issue(k + 2)


def _sc_gather(idx, tables):
    mesh = plsc.VectorSubcoreMesh(core_axis_name="c", subcore_axis_name="s")
    kfn = pl.kernel(
        _sc_gather_body,
        out_type=jax.ShapeDtypeStruct((6 * B, RANK), jnp.float32),
        mesh=mesh,
        scratch_types=[
            pltpu.VMEM((NDIM, _NCHUNK, _CHUNK), jnp.int32),
            pltpu.VMEM((_CHUNK, RANK), jnp.float32),
            pltpu.VMEM((_CHUNK, RANK), jnp.float32),
            pltpu.SemaphoreType.DMA,
            pltpu.SemaphoreType.DMA,
        ],
        compiler_params=pltpu.CompilerParams(use_tc_tiling_on_sc=False),
    )
    return kfn(idx, *tables)


_BS = 1024
_GRID = B // _BS


def _tc_body(g_ref, eps_ref, y_ref, o_ref):
    i = pl.program_id(0)
    prod = None
    klp = jnp.float32(0.0)
    for d in range(NDIM):
        md = g_ref[d]
        ld = g_ref[NDIM + d]
        s = ld * ld
        mT = jnp.swapaxes(md, 0, 1)
        sT = jnp.swapaxes(s, 0, 1)
        m_t = jnp.concatenate([mT, mT, mT, mT], axis=0)
        s_t = jnp.concatenate([sT, sT, sT, sT], axis=0)
        e = eps_ref[d]
        f = m_t[None, :, :] + e * s_t[None, :, :]
        prod = f if prod is None else prod * f
        s2 = s * s
        klp += jnp.sum(1.0 + jnp.log(s2) - md * md - s2)
    gr = lax.broadcasted_iota(jnp.int32, (4, 128), 0)
    gc = lax.broadcasted_iota(jnp.int32, (4, 128), 1) // RANK
    gsum = (gr == gc).astype(jnp.bfloat16)
    pb = prod.astype(jnp.bfloat16)
    fs = jnp.concatenate(
        [lax.dot_general(gsum, pb[si], (((1,), (0,)), ((), ())),
                         preferred_element_type=jnp.float32)
         for si in range(8)], axis=0)
    sq = (fs - y_ref[...]) ** 2
    contrib = 0.5 * (jnp.sum(sq) / K1 + LAMBD * klp)

    @pl.when(i == 0)
    def _():
        o_ref[...] = jnp.zeros((1, 1), jnp.float32)

    o_ref[...] += jnp.full((1, 1), contrib, jnp.float32)


def _tc_compute(g, eps_r, ys):
    return pl.pallas_call(
        _tc_body,
        grid=(_GRID,),
        in_specs=[
            pl.BlockSpec((6, _BS, RANK), lambda i: (0, i, 0)),
            pl.BlockSpec((NDIM, 8, 128, _BS), lambda i: (0, 0, 0, i)),
            pl.BlockSpec((1, _BS), lambda i: (0, i)),
        ],
        out_specs=pl.BlockSpec((1, 1), lambda i: (0, 0)),
        out_shape=jax.ShapeDtypeStruct((1, 1), jnp.float32),
    )(g, eps_r, ys)


def kernel(entries, ys, means_0, means_1, means_2,
           chols_0, chols_1, chols_2, eps):
    idx = entries.T.astype(jnp.int32).reshape(NDIM, _NW, _NCHUNK, _CHUNK)
    tables = (means_0, means_1, means_2, chols_0, chols_1, chols_2)
    g = _sc_gather(idx, tables).reshape(6, B, RANK)
    eps_t = eps.reshape(NDIM, B, 8, 128).transpose(0, 2, 3, 1)
    out = _tc_compute(g, eps_t, ys.reshape(1, B))
    return out.reshape(1)

# --- scband reference (transcript-rebuilt; emitter-appended) ---
"""Pipeline reference for scband-ssvi-torch-83528523973073 (READ-ONLY COPY).

The authoritative reference and input builder live on the scoring server;
editing this copy changes nothing except your own understanding.
"""

import jax, jax.numpy as jnp
import numpy as np

B = 16384
NDIM = 3
VOCAB = 100000
RANK = 32
K1 = 32
LAMBD = 0.01


def setup_inputs(seed: int = 0) -> dict:
    key = jax.random.key(seed)
    ks = jax.random.split(key, 10)
    entries = jax.random.randint(ks[0], (B, NDIM), 0, VOCAB, dtype=jnp.int64 if jax.config.read('jax_enable_x64') else jnp.int32)
    ys = jax.random.normal(ks[1], (B,), dtype=jnp.float32)
    means_0 = jax.random.normal(ks[2], (VOCAB, RANK), dtype=jnp.float32)
    means_1 = jax.random.normal(ks[3], (VOCAB, RANK), dtype=jnp.float32)
    means_2 = jax.random.normal(ks[4], (VOCAB, RANK), dtype=jnp.float32)
    chols_0 = jax.random.normal(ks[5], (VOCAB, RANK), dtype=jnp.float32)
    chols_1 = jax.random.normal(ks[6], (VOCAB, RANK), dtype=jnp.float32)
    chols_2 = jax.random.normal(ks[7], (VOCAB, RANK), dtype=jnp.float32)
    eps = jax.random.normal(ks[8], (NDIM, B, K1, RANK), dtype=jnp.float32)
    return {"entries": entries, "ys": ys,
            "means_0": means_0, "means_1": means_1, "means_2": means_2,
            "chols_0": chols_0, "chols_1": chols_1, "chols_2": chols_2,
            "eps": eps}


def reference(entries, ys, means_0, means_1, means_2, chols_0, chols_1, chols_2, eps):
    # Faithful JAX port of SSVI_torch.loss_fun (datatype='real'):
    # batch_expectation (compute_batch_expectation_term) + lambd * batch_kl (compute_batch_kl_term)
    means = [means_0, means_1, means_2]
    chols = [chols_0, chols_1, chols_2]
    prod = jnp.ones((B, K1, RANK), dtype=jnp.float32)
    kl = jnp.float32(0.0)
    for d in range(NDIM):
        cols = entries[:, d]
        m = jnp.take(means[d], cols, axis=0)            # (B, RANK) embedding lookup
        L = jnp.take(chols[d], cols, axis=0)            # (B, RANK) embedding lookup
        L2 = L ** 2
        # ms_copied + eps * L_squared, broadcast over K1 samples
        prod = prod * (m[:, None, :] + eps[d] * L2[:, None, :])
        S = L2
        kl = kl - 0.5 * jnp.sum(1.0 + jnp.log(S ** 2) - m ** 2 - S ** 2)
    fs = prod.sum(axis=2)                               # (B, K1)
    target = jnp.broadcast_to(ys[:, None], (B, K1))
    log_pdf = -0.5 * (fs - target) ** 2                 # real datatype
    expected_log_pdf = log_pdf.mean(axis=1)             # (B,)
    batch_expectation = expected_log_pdf.sum()
    loss = jnp.zeros((1,), dtype=jnp.float32) - (batch_expectation + LAMBD * kl)
    return loss

if __name__ == "__main__":
    import jax
    _d = setup_inputs()
    print(jax.jit(kernel)(*tuple(_d.values())))

</pallas_src>

<mosaic_0001>
#map = affine_map<(d0, d1) -> (0, 0, 0, 0)>
#map1 = affine_map<(d0, d1) -> (0, 0)>
module attributes {stable_mosaic.version = 14 : i64} {
  func.func @_sc_gather_body(%arg0: i32, %arg1: i32, %arg2: memref<3x32x4x128xi32, #tpu.memory_space<hbm>>, %arg3: memref<100000x32xf32, #tpu.memory_space<hbm>>, %arg4: memref<100000x32xf32, #tpu.memory_space<hbm>>, %arg5: memref<100000x32xf32, #tpu.memory_space<hbm>>, %arg6: memref<100000x32xf32, #tpu.memory_space<hbm>>, %arg7: memref<100000x32xf32, #tpu.memory_space<hbm>>, %arg8: memref<100000x32xf32, #tpu.memory_space<hbm>>, %arg9: memref<98304x32xf32, #tpu.memory_space<hbm>>, %arg10: memref<3x4x128xi32, #tpu.memory_space<vmem>>, %arg11: memref<128x32xf32, #tpu.memory_space<vmem>>, %arg12: memref<128x32xf32, #tpu.memory_space<vmem>>, %arg13: memref<!tpu.dma_semaphore, #tpu.memory_space<semaphore_mem>>, %arg14: memref<!tpu.dma_semaphore, #tpu.memory_space<semaphore_mem>>) attributes {dimension_semantics = [#tpu.dimension_semantics<core_parallel>, #tpu.dimension_semantics<subcore_parallel>], iteration_bounds = array<i64: 2, 16>, scalar_prefetch = 0 : i64, scratch_operands = 5 : i64, tpu.core_type = #tpu.core_type<sc_vector_subcore>, window_params = [{transform_indices = #map}, {transform_indices = #map1}, {transform_indices = #map1}, {transform_indices = #map1}, {transform_indices = #map1}, {transform_indices = #map1}, {transform_indices = #map1}, {transform_indices = #map1}]} {
    %mul3A = arith.constant 2 : i32
    %mul3A_0 = arith.muli %arg1, %mul3A : i32
    %add3A = arith.addi %mul3A_0, %arg0 : i32
    %mul3A_1 = arith.constant 512 : i32
    %mul3A_2 = arith.muli %add3A, %mul3A_1 : i32
    "tpu.region"() ({
      %run_scoped3A = tpu.sem_alloc : memref<!tpu.dma_semaphore, #tpu.memory_space<semaphore_mem>>
      %dma_start3A_481 = arith.constant 0 : i32
      %dma_start3A_482 = arith.constant 0 : i32
      %dma_start3A_483 = arith.constant 0 : i32
      %dma_start3A_484 = tpu.memref_slice %arg2[%dma_start3A_481, %add3A, %dma_start3A_482, %dma_start3A_483] : memref<3x32x4x128xi32, #tpu.memory_space<hbm>> -> memref<3x1x4x128xi32, #tpu.memory_space<hbm>>
      %dma_start3A_485 = tpu.memref_squeeze %dma_start3A_484 : memref<3x1x4x128xi32, #tpu.memory_space<hbm>> -> memref<3x4x128xi32, #tpu.memory_space<hbm>>
      %dma_start3A_486 = arith.constant 0 : i32
      %dma_start3A_487 = arith.constant 0 : i32
      %dma_start3A_488 = arith.constant 0 : i32
      %dma_start3A_489 = tpu.memref_slice %arg2[%dma_start3A_486, %add3A, %dma_start3A_487, %dma_start3A_488] : memref<3x32x4x128xi32, #tpu.memory_space<hbm>> -> memref<3x1x4x128xi32, #tpu.memory_space<hbm>>
      %dma_start3A_490 = tpu.memref_squeeze %dma_start3A_489 : memref<3x1x4x128xi32, #tpu.memory_space<hbm>> -> memref<3x4x128xi32, #tpu.memory_space<hbm>>
      tpu.enqueue_dma source(%dma_start3A_490 : memref<3x4x128xi32, #tpu.memory_space<hbm>>) target(%arg10 : memref<3x4x128xi32, #tpu.memory_space<vmem>>) target_semaphore(%run_scoped3A : memref<!tpu.dma_semaphore, #tpu.memory_space<semaphore_mem>>)
      %dma_wait3A_491 = arith.constant 0 : i32
      %dma_wait3A_492 = arith.constant 0 : i32
      %dma_wait3A_493 = arith.constant 0 : i32
      %dma_wait3A_494 = tpu.memref_slice %arg2[%dma_wait3A_491, %add3A, %dma_wait3A_492, %dma_wait3A_493] : memref<3x32x4x128xi32, #tpu.memory_space<hbm>> -> memref<3x1x4x128xi32, #tpu.memory_space<hbm>>
      %dma_wait3A_495 = tpu.memref_squeeze %dma_wait3A_494 : memref<3x1x4x128xi32, #tpu.memory_space<hbm>> -> memref<3x4x128xi32, #tpu.memory_space<hbm>>
      %dma_wait3A_496 = arith.constant 0 : i32
      %dma_wait3A_497 = arith.constant 0 : i32
      %dma_wait3A_498 = arith.constant 0 : i32
      %dma_wait3A_499 = tpu.memref_slice %arg2[%dma_wait3A_496, %add3A, %dma_wait3A_497, %dma_wait3A_498] : memref<3x32x4x128xi32, #tpu.memory_space<hbm>> -> memref<3x1x4x128xi32, #tpu.memory_space<hbm>>
      %dma_wait3A_500 = tpu.memref_squeeze %dma_wait3A_499 : memref<3x1x4x128xi32, #tpu.memory_space<hbm>> -> memref<3x4x128xi32, #tpu.memory_space<hbm>>
      tpu.wait_dma2 semaphore(%run_scoped3A : memref<!tpu.dma_semaphore, #tpu.memory_space<semaphore_mem>>) src(%dma_wait3A_500 : memref<3x4x128xi32, #tpu.memory_space<hbm>>) dst(%arg10 : memref<3x4x128xi32, #tpu.memory_space<vmem>>)
      tpu.yield
    }) : () -> ()
    %add3A_3 = arith.constant 0 : i32
    %add3A_4 = arith.addi %add3A_3, %mul3A_2 : i32
    %add3A_5 = arith.constant 0 : i32
    %add3A_6 = arith.addi %add3A_4, %add3A_5 : i32
    %add3A_7 = arith.constant 0 : i32
    %add3A_8 = arith.addi %add3A_7, %mul3A_2 : i32
    %add3A_9 = arith.constant 128 : i32
    %add3A_10 = arith.addi %add3A_8, %add3A_9 : i32
    %add3A_11 = arith.constant 0 : i32
    %add3A_12 = arith.addi %add3A_11, %mul3A_2 : i32
    %add3A_13 = arith.constant 256 : i32
    %add3A_14 = arith.addi %add3A_12, %add3A_13 : i32
    %add3A_15 = arith.constant 0 : i32
    %add3A_16 = arith.addi %add3A_15, %mul3A_2 : i32
    %add3A_17 = arith.constant 384 : i32
    %add3A_18 = arith.addi %add3A_16, %add3A_17 : i32
    %add3A_19 = arith.constant 16384 : i32
    %add3A_20 = arith.addi %add3A_19, %mul3A_2 : i32
    %add3A_21 = arith.constant 0 : i32
    %add3A_22 = arith.addi %add3A_20, %add3A_21 : i32
    %add3A_23 = arith.constant 16384 : i32
    %add3A_24 = arith.addi %add3A_23, %mul3A_2 : i32
    %add3A_25 = arith.constant 128 : i32
    %add3A_26 = arith.addi %add3A_24, %add3A_25 : i32
    %add3A_27 = arith.constant 16384 : i32
    %add3A_28 = arith.addi %add3A_27, %mul3A_2 : i32
    %add3A_29 = arith.constant 256 : i32
    %add3A_30 = arith.addi %add3A_28, %add3A_29 : i32
    %add3A_31 = arith.constant 16384 : i32
    %add3A_32 = arith.addi %add3A_31, %mul3A_2 : i32
    %add3A_33 = arith.constant 384 : i32
    %add3A_34 = arith.addi %add3A_32, %add3A_33 : i32
    %add3A_35 = arith.constant 32768 : i32
    %add3A_36 = arith.addi %add3A_35, %mul3A_2 : i32
    %add3A_37 = arith.constant 0 : i32
    %add3A_38 = arith.addi %add3A_36, %add3A_37 : i32
    %add3A_39 = arith.constant 32768 : i32
    %add3A_40 = arith.addi %add3A_39, %mul3A_2 : i32
    %add3A_41 = arith.constant 128 : i32
    %add3A_42 = arith.addi %add3A_40, %add3A_41 : i32
    %add3A_43 = arith.constant 32768 : i32
    %add3A_44 = arith.addi %add3A_43, %mul3A_2 : i32
    %add3A_45 = arith.constant 256 : i32
    %add3A_46 = arith.addi %add3A_44, %add3A_45 : i32
    %add3A_47 = arith.constant 32768 : i32
    %add3A_48 = arith.addi %add3A_47, %mul3A_2 : i32
    %add3A_49 = arith.constant 384 : i32
    %add3A_50 = arith.addi %add3A_48, %add3A_49 : i32
    %add3A_51 = arith.constant 49152 : i32
    %add3A_52 = arith.addi %add3A_51, %mul3A_2 : i32
    %add3A_53 = arith.constant 0 : i32
    %add3A_54 = arith.addi %add3A_52, %add3A_53 : i32
    %add3A_55 = arith.constant 49152 : i32
    %add3A_56 = arith.addi %add3A_55, %mul3A_2 : i32
    %add3A_57 = arith.constant 128 : i32
    %add3A_58 = arith.addi %add3A_56, %add3A_57 : i32
    %add3A_59 = arith.constant 49152 : i32
    %add3A_60 = arith.addi %add3A_59, %mul3A_2 : i32
    %add3A_61 = arith.constant 256 : i32
    %add3A_62 = arith.addi %add3A_60, %add3A_61 : i32
    %add3A_63 = arith.constant 49152 : i32
    %add3A_64 = arith.addi %add3A_63, %mul3A_2 : i32
    %add3A_65 = arith.constant 384 : i32
    %add3A_66 = arith.addi %add3A_64, %add3A_65 : i32
    %add3A_67 = arith.constant 65536 : i32
    %add3A_68 = arith.addi %add3A_67, %mul3A_2 : i32
    %add3A_69 = arith.constant 0 : i32
    %add3A_70 = arith.addi %add3A_68, %add3A_69 : i32
    %add3A_71 = arith.constant 65536 : i32
    %add3A_72 = arith.addi %add3A_71, %mul3A_2 : i32
    %add3A_73 = arith.constant 128 : i32
    %add3A_74 = arith.addi %add3A_72, %add3A_73 : i32
    %add3A_75 = arith.constant 65536 : i32
    %add3A_76 = arith.addi %add3A_75, %mul3A_2 : i32
    %add3A_77 = arith.constant 256 : i32
    %add3A_78 = arith.addi %add3A_76, %add3A_77 : i32
    %add3A_79 = arith.constant 65536 : i32
    %add3A_80 = arith.addi %add3A_79, %mul3A_2 : i32
    %add3A_81 = arith.constant 384 : i32
    %add3A_82 = arith.addi %add3A_80, %add3A_81 : i32
    %add3A_83 = arith.constant 81920 : i32
    %add3A_84 = arith.addi %add3A_83, %mul3A_2 : i32
    %add3A_85 = arith.constant 0 : i32
    %add3A_86 = arith.addi %add3A_84, %add3A_85 : i32
    %add3A_87 = arith.constant 81920 : i32
    %add3A_88 = arith.addi %add3A_87, %mul3A_2 : i32
    %add3A_89 = arith.constant 128 : i32
    %add3A_90 = arith.addi %add3A_88, %add3A_89 : i32
    %add3A_91 = arith.constant 81920 : i32
    %add3A_92 = arith.addi %add3A_91, %mul3A_2 : i32
    %add3A_93 = arith.constant 256 : i32
    %add3A_94 = arith.addi %add3A_92, %add3A_93 : i32
    %add3A_95 = arith.constant 81920 : i32
    %add3A_96 = arith.addi %add3A_95, %mul3A_2 : i32
    %add3A_97 = arith.constant 384 : i32
    %add3A_98 = arith.addi %add3A_96, %add3A_97 : i32
    %dma_start3A = arith.constant 0 : i32
    %dma_start3A_99 = arith.constant 0 : i32
    %dma_start3A_100 = arith.constant 0 : i32
    %dma_start3A_101 = tpu.memref_slice %arg10[%dma_start3A, %dma_start3A_99, %dma_start3A_100] : memref<3x4x128xi32, #tpu.memory_space<vmem>> -> memref<1x1x128xi32, #tpu.memory_space<vmem>>
    %dma_start3A_102 = tpu.memref_squeeze %dma_start3A_101 : memref<1x1x128xi32, #tpu.memory_space<vmem>> -> memref<128xi32, #tpu.memory_space<vmem>>
    %dma_start3A_103 = arith.constant 0 : i32
    %dma_start3A_104 = arith.constant 0 : i32
    %dma_start3A_105 = tpu.memref_slice %arg3[%dma_start3A_103, %dma_start3A_104] : memref<100000x32xf32, #tpu.memory_space<hbm>> -> memref<100000x32xf32, #tpu.memory_space<hbm>>
    tpu.enqueue_indirect_dma source(%dma_start3A_105 : memref<100000x32xf32, #tpu.memory_space<hbm>>) target(%arg11 : memref<128x32xf32, #tpu.memory_space<vmem>>) offsets(%dma_start3A_102 : memref<128xi32, #tpu.memory_space<vmem>>) semaphore(%arg13 : memref<!tpu.dma_semaphore, #tpu.memory_space<semaphore_mem>>)
    %dma_start3A_106 = arith.constant 0 : i32
    %dma_start3A_107 = arith.constant 1 : i32
    %dma_start3A_108 = arith.constant 0 : i32
    %dma_start3A_109 = tpu.memref_slice %arg10[%dma_start3A_106, %dma_start3A_107, %dma_start3A_108] : memref<3x4x128xi32, #tpu.memory_space<vmem>> -> memref<1x1x128xi32, #tpu.memory_space<vmem>>
    %dma_start3A_110 = tpu.memref_squeeze %dma_start3A_109 : memref<1x1x128xi32, #tpu.memory_space<vmem>> -> memref<128xi32, #tpu.memory_space<vmem>>
    %dma_start3A_111 = arith.constant 0 : i32
    %dma_start3A_112 = arith.constant 0 : i32
    %dma_start3A_113 = tpu.memref_slice %arg3[%dma_start3A_111, %dma_start3A_112] : memref<100000x32xf32, #tpu.memory_space<hbm>> -> memref<100000x32xf32, #tpu.memory_space<hbm>>
    tpu.enqueue_indirect_dma source(%dma_start3A_113 : memref<100000x32xf32, #tpu.memory_space<hbm>>) target(%arg12 : memref<128x32xf32, #tpu.memory_space<vmem>>) offsets(%dma_start3A_110 : memref<128xi32, #tpu.memory_space<vmem>>) semaphore(%arg14 : memref<!tpu.dma_semaphore, #tpu.memory_space<semaphore_mem>>)
    %dma_wait3A = arith.constant 0 : i32
    %dma_wait3A_114 = arith.constant 0 : i32
    %dma_wait3A_115 = arith.constant 0 : i32
    %dma_wait3A_116 = tpu.memref_slice %arg10[%dma_wait3A, %dma_wait3A_114, %dma_wait3A_115] : memref<3x4x128xi32, #tpu.memory_space<vmem>> -> memref<1x1x128xi32, #tpu.memory_space<vmem>>
    %dma_wait3A_117 = tpu.memref_squeeze %dma_wait3A_116 : memref<1x1x128xi32, #tpu.memory_space<vmem>> -> memref<128xi32, #tpu.memory_space<vmem>>
    %dma_wait3A_118 = arith.constant 0 : i32
    %dma_wait3A_119 = arith.constant 0 : i32
    %dma_wait3A_120 = tpu.memref_slice %arg3[%dma_wait3A_118, %dma_wait3A_119] : memref<100000x32xf32, #tpu.memory_space<hbm>> -> memref<100000x32xf32, #tpu.memory_space<hbm>>
    tpu.wait_indirect_dma semaphore(%arg13 : memref<!tpu.dma_semaphore, #tpu.memory_space<semaphore_mem>>) src(%dma_wait3A_120 : memref<100000x32xf32, #tpu.memory_space<hbm>>) dst(%arg11 : memref<128x32xf32, #tpu.memory_space<vmem>>)
    "tpu.region"() ({
      %run_scoped3A = tpu.sem_alloc : memref<!tpu.dma_semaphore, #tpu.memory_space<semaphore_mem>>
      %dma_start3A_481 = arith.constant 0 : i32
      %dma_start3A_482 = tpu.memref_slice %arg9[%add3A_6, %dma_start3A_481] : memref<98304x32xf32, #tpu.memory_space<hbm>> -> memref<128x32xf32, #tpu.memory_space<hbm>>
      %dma_start3A_483 = arith.constant 0 : i32
      %dma_start3A_484 = tpu.memref_slice %arg9[%add3A_6, %dma_start3A_483] : memref<98304x32xf32, #tpu.memory_space<hbm>> -> memref<128x32xf32, #tpu.memory_space<hbm>>
      tpu.enqueue_dma source(%arg11 : memref<128x32xf32, #tpu.memory_space<vmem>>) target(%dma_start3A_484 : memref<128x32xf32, #tpu.memory_space<hbm>>) target_semaphore(%run_scoped3A : memref<!tpu.dma_semaphore, #tpu.memory_space<semaphore_mem>>)
      %dma_wait3A_485 = arith.constant 0 : i32
      %dma_wait3A_486 = tpu.memref_slice %arg9[%add3A_6, %dma_wait3A_485] : memref<98304x32xf32, #tpu.memory_space<hbm>> -> memref<128x32xf32, #tpu.memory_space<hbm>>
      %dma_wait3A_487 = arith.constant 0 : i32
      %dma_wait3A_488 = tpu.memref_slice %arg9[%add3A_6, %dma_wait3A_487] : memref<98304x32xf32, #tpu.memory_space<hbm>> -> memref<128x32xf32, #tpu.memory_space<hbm>>
      tpu.wait_dma2 semaphore(%run_scoped3A : memref<!tpu.dma_semaphore, #tpu.memory_space<semaphore_mem>>) src(%arg11 : memref<128x32xf32, #tpu.memory_space<vmem>>) dst(%dma_wait3A_488 : memref<128x32xf32, #tpu.memory_space<hbm>>)
      tpu.yield
    }) : () -> ()
    %dma_start3A_121 = arith.constant 0 : i32
    %dma_start3A_122 = arith.constant 2 : i32
    %dma_start3A_123 = arith.constant 0 : i32
    %dma_start3A_124 = tpu.memref_slice %arg10[%dma_start3A_121, %dma_start3A_122, %dma_start3A_123] : memref<3x4x128xi32, #tpu.memory_space<vmem>> -> memref<1x1x128xi32, #tpu.memory_space<vmem>>
    %dma_start3A_125 = tpu.memref_squeeze %dma_start3A_124 : memref<1x1x128xi32, #tpu.memory_space<vmem>> -> memref<128xi32, #tpu.memory_space<vmem>>
    %dma_start3A_126 = arith.constant 0 : i32
    %dma_start3A_127 = arith.constant 0 : i32
    %dma_start3A_128 = tpu.memref_slice %arg3[%dma_start3A_126, %dma_start3A_127] : memref<100000x32xf32, #tpu.memory_space<hbm>> -> memref<100000x32xf32, #tpu.memory_space<hbm>>
    tpu.enqueue_indirect_dma source(%dma_start3A_128 : memref<100000x32xf32, #tpu.memory_space<hbm>>) target(%arg11 : memref<128x32xf32, #tpu.memory_space<vmem>>) offsets(%dma_start3A_125 : memref<128xi32, #tpu.memory_space<vmem>>) semaphore(%arg13 : memref<!tpu.dma_semaphore, #tpu.memory_space<semaphore_mem>>)
    %dma_wait3A_129 = arith.constant 0 : i32
    %dma_wait3A_130 = arith.constant 1 : i32
    %dma_wait3A_131 = arith.constant 0 : i32
    %dma_wait3A_132 = tpu.memref_slice %arg10[%dma_wait3A_129, %dma_wait3A_130, %dma_wait3A_131] : memref<3x4x128xi32, #tpu.memory_space<vmem>> -> memref<1x1x128xi32, #tpu.memory_space<vmem>>
    %dma_wait3A_133 = tpu.memref_squeeze %dma_wait3A_132 : memref<1x1x128xi32, #tpu.memory_space<vmem>> -> memref<128xi32, #tpu.memory_space<vmem>>
    %dma_wait3A_134 = arith.constant 0 : i32
    %dma_wait3A_135 = arith.constant 0 : i32
    %dma_wait3A_136 = tpu.memref_slice %arg3[%dma_wait3A_134, %dma_wait3A_135] : memref<100000x32xf32, #tpu.memory_space<hbm>> -> memref<100000x32xf32, #tpu.memory_space<hbm>>
    tpu.wait_indirect_dma semaphore(%arg14 : memref<!tpu.dma_semaphore, #tpu.memory_space<semaphore_mem>>) src(%dma_wait3A_136 : memref<100000x32xf32, #tpu.memory_space<hbm>>) dst(%arg12 : memref<128x32xf32, #tpu.memory_space<vmem>>)
    "tpu.region"() ({
      %run_scoped3A = tpu.sem_alloc : memref<!tpu.dma_semaphore, #tpu.memory_space<semaphore_mem>>
      %dma_start3A_481 = arith.constant 0 : i32
      %dma_start3A_482 = tpu.memref_slice %arg9[%add3A_10, %dma_start3A_481] : memref<98304x32xf32, #tpu.memory_space<hbm>> -> memref<128x32xf32, #tpu.memory_space<hbm>>
      %dma_start3A_483 = arith.constant 0 : i32
      %dma_start3A_484 = tpu.memref_slice %arg9[%add3A_10, %dma_start3A_483] : memref<98304x32xf32, #tpu.memory_space<hbm>> -> memref<128x32xf32, #tpu.memory_space<hbm>>
      tpu.enqueue_dma source(%arg12 : memref<128x32xf32, #tpu.memory_space<vmem>>) target(%dma_start3A_484 : memref<128x32xf32, #tpu.memory_space<hbm>>) target_semaphore(%run_scoped3A : memref<!tpu.dma_semaphore, #tpu.memory_space<semaphore_mem>>)
      %dma_wait3A_485 = arith.constant 0 : i32
      %dma_wait3A_486 = tpu.memref_slice %arg9[%add3A_10, %dma_wait3A_485] : memref<98304x32xf32, #tpu.memory_space<hbm>> -> memref<128x32xf32, #tpu.memory_space<hbm>>
      %dma_wait3A_487 = arith.constant 0 : i32
      %dma_wait3A_488 = tpu.memref_slice %arg9[%add3A_10, %dma_wait3A_487] : memref<98304x32xf32, #tpu.memory_space<hbm>> -> memref<128x32xf32, #tpu.memory_space<hbm>>
      tpu.wait_dma2 semaphore(%run_scoped3A : memref<!tpu.dma_semaphore, #tpu.memory_space<semaphore_mem>>) src(%arg12 : memref<128x32xf32, #tpu.memory_space<vmem>>) dst(%dma_wait3A_488 : memref<128x32xf32, #tpu.memory_space<hbm>>)
      tpu.yield
    }) : () -> ()
    %dma_start3A_137 = arith.constant 0 : i32
    %dma_start3A_138 = arith.constant 3 : i32
    %dma_start3A_139 = arith.constant 0 : i32
    %dma_start3A_140 = tpu.memref_slice %arg10[%dma_start3A_137, %dma_start3A_138, %dma_start3A_139] : memref<3x4x128xi32, #tpu.memory_space<vmem>> -> memref<1x1x128xi32, #tpu.memory_space<vmem>>
    %dma_start3A_141 = tpu.memref_squeeze %dma_start3A_140 : memref<1x1x128xi32, #tpu.memory_space<vmem>> -> memref<128xi32, #tpu.memory_space<vmem>>
    %dma_start3A_142 = arith.constant 0 : i32
    %dma_start3A_143 = arith.constant 0 : i32
    %dma_start3A_144 = tpu.memref_slice %arg3[%dma_start3A_142, %dma_start3A_143] : memref<100000x32xf32, #tpu.memory_space<hbm>> -> memref<100000x32xf32, #tpu.memory_space<hbm>>
    tpu.enqueue_indirect_dma source(%dma_start3A_144 : memref<100000x32xf32, #tpu.memory_space<hbm>>) target(%arg12 : memref<128x32xf32, #tpu.memory_space<vmem>>) offsets(%dma_start3A_141 : memref<128xi32, #tpu.memory_space<vmem>>) semaphore(%arg14 : memref<!tpu.dma_semaphore, #tpu.memory_space<semaphore_mem>>)
    %dma_wait3A_145 = arith.constant 0 : i32
    %dma_wait3A_146 = arith.constant 2 : i32
    %dma_wait3A_147 = arith.constant 0 : i32
    %dma_wait3A_148 = tpu.memref_slice %arg10[%dma_wait3A_145, %dma_wait3A_146, %dma_wait3A_147] : memref<3x4x128xi32, #tpu.memory_space<vmem>> -> memref<1x1x128xi32, #tpu.memory_space<vmem>>
    %dma_wait3A_149 = tpu.memref_squeeze %dma_wait3A_148 : memref<1x1x128xi32, #tpu.memory_space<vmem>> -> memref<128xi32, #tpu.memory_space<vmem>>
    %dma_wait3A_150 = arith.constant 0 : i32
    %dma_wait3A_151 = arith.constant 0 : i32
    %dma_wait3A_152 = tpu.memref_slice %arg3[%dma_wait3A_150, %dma_wait3A_151] : memref<100000x32xf32, #tpu.memory_space<hbm>> -> memref<100000x32xf32, #tpu.memory_space<hbm>>
    tpu.wait_indirect_dma semaphore(%arg13 : memref<!tpu.dma_semaphore, #tpu.memory_space<semaphore_mem>>) src(%dma_wait3A_152 : memref<100000x32xf32, #tpu.memory_space<hbm>>) dst(%arg11 : memref<128x32xf32, #tpu.memory_space<vmem>>)
    "tpu.region"() ({
      %run_scoped3A = tpu.sem_alloc : memref<!tpu.dma_semaphore, #tpu.memory_space<semaphore_mem>>
      %dma_start3A_481 = arith.constant 0 : i32
      %dma_start3A_482 = tpu.memref_slice %arg9[%add3A_14, %dma_start3A_481] : memref<98304x32xf32, #tpu.memory_space<hbm>> -> memref<128x32xf32, #tpu.memory_space<hbm>>
      %dma_start3A_483 = arith.constant 0 : i32
      %dma_start3A_484 = tpu.memref_slice %arg9[%add3A_14, %dma_start3A_483] : memref<98304x32xf32, #tpu.memory_space<hbm>> -> memref<128x32xf32, #tpu.memory_space<hbm>>
      tpu.enqueue_dma source(%arg11 : memref<128x32xf32, #tpu.memory_space<vmem>>) target(%dma_start3A_484 : memref<128x32xf32, #tpu.memory_space<hbm>>) target_semaphore(%run_scoped3A : memref<!tpu.dma_semaphore, #tpu.memory_space<semaphore_mem>>)
      %dma_wait3A_485 = arith.constant 0 : i32
      %dma_wait3A_486 = tpu.memref_slice %arg9[%add3A_14, %dma_wait3A_485] : memref<98304x32xf32, #tpu.memory_space<hbm>> -> memref<128x32xf32, #tpu.memory_space<hbm>>
      %dma_wait3A_487 = arith.constant 0 : i32
      %dma_wait3A_488 = tpu.memref_slice %arg9[%add3A_14, %dma_wait3A_487] : memref<98304x32xf32, #tpu.memory_space<hbm>> -> memref<128x32xf32, #tpu.memory_space<hbm>>
      tpu.wait_dma2 semaphore(%run_scoped3A : memref<!tpu.dma_semaphore, #tpu.memory_space<semaphore_mem>>) src(%arg11 : memref<128x32xf32, #tpu.memory_space<vmem>>) dst(%dma_wait3A_488 : memref<128x32xf32, #tpu.memory_space<hbm>>)
      tpu.yield
    }) : () -> ()
    %dma_start3A_153 = arith.constant 1 : i32
    %dma_start3A_154 = arith.constant 0 : i32
    %dma_start3A_155 = arith.constant 0 : i32
    %dma_start3A_156 = tpu.memref_slice %arg10[%dma_start3A_153, %dma_start3A_154, %dma_start3A_155] : memref<3x4x128xi32, #tpu.memory_space<vmem>> -> memref<1x1x128xi32, #tpu.memory_space<vmem>>
    %dma_start3A_157 = tpu.memref_squeeze %dma_start3A_156 : memref<1x1x128xi32, #tpu.memory_space<vmem>> -> memref<128xi32, #tpu.memory_space<vmem>>
    %dma_start3A_158 = arith.constant 0 : i32
    %dma_start3A_159 = arith.constant 0 : i32
    %dma_start3A_160 = tpu.memref_slice %arg4[%dma_start3A_158, %dma_start3A_159] : memref<100000x32xf32, #tpu.memory_space<hbm>> -> memref<100000x32xf32, #tpu.memory_space<hbm>>
    tpu.enqueue_indirect_dma source(%dma_start3A_160 : memref<100000x32xf32, #tpu.memory_space<hbm>>) target(%arg11 : memref<128x32xf32, #tpu.memory_space<vmem>>) offsets(%dma_start3A_157 : memref<128xi32, #tpu.memory_space<vmem>>) semaphore(%arg13 : memref<!tpu.dma_semaphore, #tpu.memory_space<semaphore_mem>>)
    %dma_wait3A_161 = arith.constant 0 : i32
    %dma_wait3A_162 = arith.constant 3 : i32
    %dma_wait3A_163 = arith.constant 0 : i32
    %dma_wait3A_164 = tpu.memref_slice %arg10[%dma_wait3A_161, %dma_wait3A_162, %dma_wait3A_163] : memref<3x4x128xi32, #tpu.memory_space<vmem>> -> memref<1x1x128xi32, #tpu.memory_space<vmem>>
    %dma_wait3A_165 = tpu.memref_squeeze %dma_wait3A_164 : memref<1x1x128xi32, #tpu.memory_space<vmem>> -> memref<128xi32, #tpu.memory_space<vmem>>
    %dma_wait3A_166 = arith.constant 0 : i32
    %dma_wait3A_167 = arith.constant 0 : i32
    %dma_wait3A_168 = tpu.memref_slice %arg3[%dma_wait3A_166, %dma_wait3A_167] : memref<100000x32xf32, #tpu.memory_space<hbm>> -> memref<100000x32xf32, #tpu.memory_space<hbm>>
    tpu.wait_indirect_dma semaphore(%arg14 : memref<!tpu.dma_semaphore, #tpu.memory_space<semaphore_mem>>) src(%dma_wait3A_168 : memref<100000x32xf32, #tpu.memory_space<hbm>>) dst(%arg12 : memref<128x32xf32, #tpu.memory_space<vmem>>)
    "tpu.region"() ({
      %run_scoped3A = tpu.sem_alloc : memref<!tpu.dma_semaphore, #tpu.memory_space<semaphore_mem>>
      %dma_start3A_481 = arith.constant 0 : i32
      %dma_start3A_482 = tpu.memref_slice %arg9[%add3A_18, %dma_start3A_481] : memref<98304x32xf32, #tpu.memory_space<hbm>> -> memref<128x32xf32, #tpu.memory_space<hbm>>
      %dma_start3A_483 = arith.constant 0 : i32
      %dma_start3A_484 = tpu.memref_slice %arg9[%add3A_18, %dma_start3A_483] : memref<98304x32xf32, #tpu.memory_space<hbm>> -> memref<128x32xf32, #tpu.memory_space<hbm>>
      tpu.enqueue_dma source(%arg12 : memref<128x32xf32, #tpu.memory_space<vmem>>) target(%dma_start3A_484 : memref<128x32xf32, #tpu.memory_space<hbm>>) target_semaphore(%run_scoped3A : memref<!tpu.dma_semaphore, #tpu.memory_space<semaphore_mem>>)
      %dma_wait3A_485 = arith.constant 0 : i32
      %dma_wait3A_486 = tpu.memref_slice %arg9[%add3A_18, %dma_wait3A_485] : memref<98304x32xf32, #tpu.memory_space<hbm>> -> memref<128x32xf32, #tpu.memory_space<hbm>>
      %dma_wait3A_487 = arith.constant 0 : i32
      %dma_wait3A_488 = tpu.memref_slice %arg9[%add3A_18, %dma_wait3A_487] : memref<98304x32xf32, #tpu.memory_space<hbm>> -> memref<128x32xf32, #tpu.memory_space<hbm>>
      tpu.wait_dma2 semaphore(%run_scoped3A : memref<!tpu.dma_semaphore, #tpu.memory_space<semaphore_mem>>) src(%arg12 : memref<128x32xf32, #tpu.memory_space<vmem>>) dst(%dma_wait3A_488 : memref<128x32xf32, #tpu.memory_space<hbm>>)
      tpu.yield
    }) : () -> ()
    %dma_start3A_169 = arith.constant 1 : i32
    %dma_start3A_170 = arith.constant 1 : i32
    %dma_start3A_171 = arith.constant 0 : i32
    %dma_start3A_172 = tpu.memref_slice %arg10[%dma_start3A_169, %dma_start3A_170, %dma_start3A_171] : memref<3x4x128xi32, #tpu.memory_space<vmem>> -> memref<1x1x128xi32, #tpu.memory_space<vmem>>
    %dma_start3A_173 = tpu.memref_squeeze %dma_start3A_172 : memref<1x1x128xi32, #tpu.memory_space<vmem>> -> memref<128xi32, #tpu.memory_space<vmem>>
    %dma_start3A_174 = arith.constant 0 : i32
    %dma_start3A_175 = arith.constant 0 : i32
    %dma_start3A_176 = tpu.memref_slice %arg4[%dma_start3A_174, %dma_start3A_175] : memref<100000x32xf32, #tpu.memory_space<hbm>> -> memref<100000x32xf32, #tpu.memory_space<hbm>>
    tpu.enqueue_indirect_dma source(%dma_start3A_176 : memref<100000x32xf32, #tpu.memory_space<hbm>>) target(%arg12 : memref<128x32xf32, #tpu.memory_space<vmem>>) offsets(%dma_start3A_173 : memref<128xi32, #tpu.memory_space<vmem>>) semaphore(%arg14 : memref<!tpu.dma_semaphore, #tpu.memory_space<semaphore_mem>>)
    %dma_wait3A_177 = arith.constant 1 : i32
    %dma_wait3A_178 = arith.constant 0 : i32
    %dma_wait3A_179 = arith.constant 0 : i32
    %dma_wait3A_180 = tpu.memref_slice %arg10[%dma_wait3A_177, %dma_wait3A_178, %dma_wait3A_179] : memref<3x4x128xi32, #tpu.memory_space<vmem>> -> memref<1x1x128xi32, #tpu.memory_space<vmem>>
    %dma_wait3A_181 = tpu.memref_squeeze %dma_wait3A_180 : memref<1x1x128xi32, #tpu.memory_space<vmem>> -> memref<128xi32, #tpu.memory_space<vmem>>
    %dma_wait3A_182 = arith.constant 0 : i32
    %dma_wait3A_183 = arith.constant 0 : i32
    %dma_wait3A_184 = tpu.memref_slice %arg4[%dma_wait3A_182, %dma_wait3A_183] : memref<100000x32xf32, #tpu.memory_space<hbm>> -> memref<100000x32xf32, #tpu.memory_space<hbm>>
    tpu.wait_indirect_dma semaphore(%arg13 : memref<!tpu.dma_semaphore, #tpu.memory_space<semaphore_mem>>) src(%dma_wait3A_184 : memref<100000x32xf32, #tpu.memory_space<hbm>>) dst(%arg11 : memref<128x32xf32, #tpu.memory_space<vmem>>)
    "tpu.region"() ({
      %run_scoped3A = tpu.sem_alloc : memref<!tpu.dma_semaphore, #tpu.memory_space<semaphore_mem>>
      %dma_start3A_481 = arith.constant 0 : i32
      %dma_start3A_482 = tpu.memref_slice %arg9[%add3A_22, %dma_start3A_481] : memref<98304x32xf32, #tpu.memory_space<hbm>> -> memref<128x32xf32, #tpu.memory_space<hbm>>
      %dma_start3A_483 = arith.constant 0 : i32
      %dma_start3A_484 = tpu.memref_slice %arg9[%add3A_22, %dma_start3A_483] : memref<98304x32xf32, #tpu.memory_space<hbm>> -> memref<128x32xf32, #tpu.memory_space<hbm>>
      tpu.enqueue_dma source(%arg11 : memref<128x32xf32, #tpu.memory_space<vmem>>) target(%dma_start3A_484 : memref<128x32xf32, #tpu.memory_space<hbm>>) target_semaphore(%run_scoped3A : memref<!tpu.dma_semaphore, #tpu.memory_space<semaphore_mem>>)
      %dma_wait3A_485 = arith.constant 0 : i32
      %dma_wait3A_486 = tpu.memref_slice %arg9[%add3A_22, %dma_wait3A_485] : memref<98304x32xf32, #tpu.memory_space<hbm>> -> memref<128x32xf32, #tpu.memory_space<hbm>>
      %dma_wait3A_487 = arith.constant 0 : i32
      %dma_wait3A_488 = tpu.memref_slice %arg9[%add3A_22, %dma_wait3A_487] : memref<98304x32xf32, #tpu.memory_space<hbm>> -> memref<128x32xf32, #tpu.memory_space<hbm>>
      tpu.wait_dma2 semaphore(%run_scoped3A : memref<!tpu.dma_semaphore, #tpu.memory_space<semaphore_mem>>) src(%arg11 : memref<128x32xf32, #tpu.memory_space<vmem>>) dst(%dma_wait3A_488 : memref<128x32xf32, #tpu.memory_space<hbm>>)
      tpu.yield
    }) : () -> ()
    %dma_start3A_185 = arith.constant 1 : i32
    %dma_start3A_186 = arith.constant 2 : i32
    %dma_start3A_187 = arith.constant 0 : i32
    %dma_start3A_188 = tpu.memref_slice %arg10[%dma_start3A_185, %dma_start3A_186, %dma_start3A_187] : memref<3x4x128xi32, #tpu.memory_space<vmem>> -> memref<1x1x128xi32, #tpu.memory_space<vmem>>
    %dma_start3A_189 = tpu.memref_squeeze %dma_start3A_188 : memref<1x1x128xi32, #tpu.memory_space<vmem>> -> memref<128xi32, #tpu.memory_space<vmem>>
    %dma_start3A_190 = arith.constant 0 : i32
    %dma_start3A_191 = arith.constant 0 : i32
    %dma_start3A_192 = tpu.memref_slice %arg4[%dma_start3A_190, %dma_start3A_191] : memref<100000x32xf32, #tpu.memory_space<hbm>> -> memref<100000x32xf32, #tpu.memory_space<hbm>>
    tpu.enqueue_indirect_dma source(%dma_start3A_192 : memref<100000x32xf32, #tpu.memory_space<hbm>>) target(%arg11 : memref<128x32xf32, #tpu.memory_space<vmem>>) offsets(%dma_start3A_189 : memref<128xi32, #tpu.memory_space<vmem>>) semaphore(%arg13 : memref<!tpu.dma_semaphore, #tpu.memory_space<semaphore_mem>>)
    %dma_wait3A_193 = arith.constant 1 : i32
    %dma_wait3A_194 = arith.constant 1 : i32
    %dma_wait3A_195 = arith.constant 0 : i32
    %dma_wait3A_196 = tpu.memref_slice %arg10[%dma_wait3A_193, %dma_wait3A_194, %dma_wait3A_195] : memref<3x4x128xi32, #tpu.memory_space<vmem>> -> memref<1x1x128xi32, #tpu.memory_space<vmem>>
    %dma_wait3A_197 = tpu.memref_squeeze %dma_wait3A_196 : memref<1x1x128xi32, #tpu.memory_space<vmem>> -> memref<128xi32, #tpu.memory_space<vmem>>
    %dma_wait3A_198 = arith.constant 0 : i32
    %dma_wait3A_199 = arith.constant 0 : i32
    %dma_wait3A_200 = tpu.memref_slice %arg4[%dma_wait3A_198, %dma_wait3A_199] : memref<100000x32xf32, #tpu.memory_space<hbm>> -> memref<100000x32xf32, #tpu.memory_space<hbm>>
    tpu.wait_indirect_dma semaphore(%arg14 : memref<!tpu.dma_semaphore, #tpu.memory_space<semaphore_mem>>) src(%dma_wait3A_200 : memref<100000x32xf32, #tpu.memory_space<hbm>>) dst(%arg12 : memref<128x32xf32, #tpu.memory_space<vmem>>)
    "tpu.region"() ({
      %run_scoped3A = tpu.sem_alloc : memref<!tpu.dma_semaphore, #tpu.memory_space<semaphore_mem>>
      %dma_start3A_481 = arith.constant 0 : i32
      %dma_start3A_482 = tpu.memref_slice %arg9[%add3A_26, %dma_start3A_481] : memref<98304x32xf32, #tpu.memory_space<hbm>> -> memref<128x32xf32, #tpu.memory_space<hbm>>
      %dma_start3A_483 = arith.constant 0 : i32
      %dma_start3A_484 = tpu.memref_slice %arg9[%add3A_26, %dma_start3A_483] : memref<98304x32xf32, #tpu.memory_space<hbm>> -> memref<128x32xf32, #tpu.memory_space<hbm>>
      tpu.enqueue_dma source(%arg12 : memref<128x32xf32, #tpu.memory_space<vmem>>) target(%dma_start3A_484 : memref<128x32xf32, #tpu.memory_space<hbm>>) target_semaphore(%run_scoped3A : memref<!tpu.dma_semaphore, #tpu.memory_space<semaphore_mem>>)
      %dma_wait3A_485 = arith.constant 0 : i32
      %dma_wait3A_486 = tpu.memref_slice %arg9[%add3A_26, %dma_wait3A_485] : memref<98304x32xf32, #tpu.memory_space<hbm>> -> memref<128x32xf32, #tpu.memory_space<hbm>>
      %dma_wait3A_487 = arith.constant 0 : i32
      %dma_wait3A_488 = tpu.memref_slice %arg9[%add3A_26, %dma_wait3A_487] : memref<98304x32xf32, #tpu.memory_space<hbm>> -> memref<128x32xf32, #tpu.memory_space<hbm>>
      tpu.wait_dma2 semaphore(%run_scoped3A : memref<!tpu.dma_semaphore, #tpu.memory_space<semaphore_mem>>) src(%arg12 : memref<128x32xf32, #tpu.memory_space<vmem>>) dst(%dma_wait3A_488 : memref<128x32xf32, #tpu.memory_space<hbm>>)
      tpu.yield
    }) : () -> ()
    %dma_start3A_201 = arith.constant 1 : i32
    %dma_start3A_202 = arith.constant 3 : i32
    %dma_start3A_203 = arith.constant 0 : i32
    %dma_start3A_204 = tpu.memref_slice %arg10[%dma_start3A_201, %dma_start3A_202, %dma_start3A_203] : memref<3x4x128xi32, #tpu.memory_space<vmem>> -> memref<1x1x128xi32, #tpu.memory_space<vmem>>
    %dma_start3A_205 = tpu.memref_squeeze %dma_start3A_204 : memref<1x1x128xi32, #tpu.memory_space<vmem>> -> memref<128xi32, #tpu.memory_space<vmem>>
    %dma_start3A_206 = arith.constant 0 : i32
    %dma_start3A_207 = arith.constant 0 : i32
    %dma_start3A_208 = tpu.memref_slice %arg4[%dma_start3A_206, %dma_start3A_207] : memref<100000x32xf32, #tpu.memory_space<hbm>> -> memref<100000x32xf32, #tpu.memory_space<hbm>>
    tpu.enqueue_indirect_dma source(%dma_start3A_208 : memref<100000x32xf32, #tpu.memory_space<hbm>>) target(%arg12 : memref<128x32xf32, #tpu.memory_space<vmem>>) offsets(%dma_start3A_205 : memref<128xi32, #tpu.memory_space<vmem>>) semaphore(%arg14 : memref<!tpu.dma_semaphore, #tpu.memory_space<semaphore_mem>>)
    %dma_wait3A_209 = arith.constant 1 : i32
    %dma_wait3A_210 = arith.constant 2 : i32
    %dma_wait3A_211 = arith.constant 0 : i32
    %dma_wait3A_212 = tpu.memref_slice %arg10[%dma_wait3A_209, %dma_wait3A_210, %dma_wait3A_211] : memref<3x4x128xi32, #tpu.memory_space<vmem>> -> memref<1x1x128xi32, #tpu.memory_space<vmem>>
    %dma_wait3A_213 = tpu.memref_squeeze %dma_wait3A_212 : memref<1x1x128xi32, #tpu.memory_space<vmem>> -> memref<128xi32, #tpu.memory_space<vmem>>
    %dma_wait3A_214 = arith.constant 0 : i32
    %dma_wait3A_215 = arith.constant 0 : i32
    %dma_wait3A_216 = tpu.memref_slice %arg4[%dma_wait3A_214, %dma_wait3A_215] : memref<100000x32xf32, #tpu.memory_space<hbm>> -> memref<100000x32xf32, #tpu.memory_space<hbm>>
    tpu.wait_indirect_dma semaphore(%arg13 : memref<!tpu.dma_semaphore, #tpu.memory_space<semaphore_mem>>) src(%dma_wait3A_216 : memref<100000x32xf32, #tpu.memory_space<hbm>>) dst(%arg11 : memref<128x32xf32, #tpu.memory_space<vmem>>)
    "tpu.region"() ({
      %run_scoped3A = tpu.sem_alloc : memref<!tpu.dma_semaphore, #tpu.memory_space<semaphore_mem>>
      %dma_start3A_481 = arith.constant 0 : i32
      %dma_start3A_482 = tpu.memref_slice %arg9[%add3A_30, %dma_start3A_481] : memref<98304x32xf32, #tpu.memory_space<hbm>> -> memref<128x32xf32, #tpu.memory_space<hbm>>
      %dma_start3A_483 = arith.constant 0 : i32
      %dma_start3A_484 = tpu.memref_slice %arg9[%add3A_30, %dma_start3A_483] : memref<98304x32xf32, #tpu.memory_space<hbm>> -> memref<128x32xf32, #tpu.memory_space<hbm>>
      tpu.enqueue_dma source(%arg11 : memref<128x32xf32, #tpu.memory_space<vmem>>) target(%dma_start3A_484 : memref<128x32xf32, #tpu.memory_space<hbm>>) target_semaphore(%run_scoped3A : memref<!tpu.dma_semaphore, #tpu.memory_space<semaphore_mem>>)
      %dma_wait3A_485 = arith.constant 0 : i32
      %dma_wait3A_486 = tpu.memref_slice %arg9[%add3A_30, %dma_wait3A_485] : memref<98304x32xf32, #tpu.memory_space<hbm>> -> memref<128x32xf32, #tpu.memory_space<hbm>>
      %dma_wait3A_487 = arith.constant 0 : i32
      %dma_wait3A_488 = tpu.memref_slice %arg9[%add3A_30, %dma_wait3A_487] : memref<98304x32xf32, #tpu.memory_space<hbm>> -> memref<128x32xf32, #tpu.memory_space<hbm>>
      tpu.wait_dma2 semaphore(%run_scoped3A : memref<!tpu.dma_semaphore, #tpu.memory_space<semaphore_mem>>) src(%arg11 : memref<128x32xf32, #tpu.memory_space<vmem>>) dst(%dma_wait3A_488 : memref<128x32xf32, #tpu.memory_space<hbm>>)
      tpu.yield
    }) : () -> ()
    %dma_start3A_217 = arith.constant 2 : i32
    %dma_start3A_218 = arith.constant 0 : i32
    %dma_start3A_219 = arith.constant 0 : i32
    %dma_start3A_220 = tpu.memref_slice %arg10[%dma_start3A_217, %dma_start3A_218, %dma_start3A_219] : memref<3x4x128xi32, #tpu.memory_space<vmem>> -> memref<1x1x128xi32, #tpu.memory_space<vmem>>
    %dma_start3A_221 = tpu.memref_squeeze %dma_start3A_220 : memref<1x1x128xi32, #tpu.memory_space<vmem>> -> memref<128xi32, #tpu.memory_space<vmem>>
    %dma_start3A_222 = arith.constant 0 : i32
    %dma_start3A_223 = arith.constant 0 : i32
    %dma_start3A_224 = tpu.memref_slice %arg5[%dma_start3A_222, %dma_start3A_223] : memref<100000x32xf32, #tpu.memory_space<hbm>> -> memref<100000x32xf32, #tpu.memory_space<hbm>>
    tpu.enqueue_indirect_dma source(%dma_start3A_224 : memref<100000x32xf32, #tpu.memory_space<hbm>>) target(%arg11 : memref<128x32xf32, #tpu.memory_space<vmem>>) offsets(%dma_start3A_221 : memref<128xi32, #tpu.memory_space<vmem>>) semaphore(%arg13 : memref<!tpu.dma_semaphore, #tpu.memory_space<semaphore_mem>>)
    %dma_wait3A_225 = arith.constant 1 : i32
    %dma_wait3A_226 = arith.constant 3 : i32
    %dma_wait3A_227 = arith.constant 0 : i32
    %dma_wait3A_228 = tpu.memref_slice %arg10[%dma_wait3A_225, %dma_wait3A_226, %dma_wait3A_227] : memref<3x4x128xi32, #tpu.memory_space<vmem>> -> memref<1x1x128xi32, #tpu.memory_space<vmem>>
    %dma_wait3A_229 = tpu.memref_squeeze %dma_wait3A_228 : memref<1x1x128xi32, #tpu.memory_space<vmem>> -> memref<128xi32, #tpu.memory_space<vmem>>
    %dma_wait3A_230 = arith.constant 0 : i32
    %dma_wait3A_231 = arith.constant 0 : i32
    %dma_wait3A_232 = tpu.memref_slice %arg4[%dma_wait3A_230, %dma_wait3A_231] : memref<100000x32xf32, #tpu.memory_space<hbm>> -> memref<100000x32xf32, #tpu.memory_space<hbm>>
    tpu.wait_indirect_dma semaphore(%arg14 : memref<!tpu.dma_semaphore, #tpu.memory_space<semaphore_mem>>) src(%dma_wait3A_232 : memref<100000x32xf32, #tpu.memory_space<hbm>>) dst(%arg12 : memref<128x32xf32, #tpu.memory_space<vmem>>)
    "tpu.region"() ({
      %run_scoped3A = tpu.sem_alloc : memref<!tpu.dma_semaphore, #tpu.memory_space<semaphore_mem>>
      %dma_start3A_481 = arith.constant 0 : i32
      %dma_start3A_482 = tpu.memref_slice %arg9[%add3A_34, %dma_start3A_481] : memref<98304x32xf32, #tpu.memory_space<hbm>> -> memref<128x32xf32, #tpu.memory_space<hbm>>
      %dma_start3A_483 = arith.constant 0 : i32
      %dma_start3A_484 = tpu.memref_slice %arg9[%add3A_34, %dma_start3A_483] : memref<98304x32xf32, #tpu.memory_space<hbm>> -> memref<128x32xf32, #tpu.memory_space<hbm>>
      tpu.enqueue_dma source(%arg12 : memref<128x32xf32, #tpu.memory_space<vmem>>) target(%dma_start3A_484 : memref<128x32xf32, #tpu.memory_space<hbm>>) target_semaphore(%run_scoped3A : memref<!tpu.dma_semaphore, #tpu.memory_space<semaphore_mem>>)
      %dma_wait3A_485 = arith.constant 0 : i32
      %dma_wait3A_486 = tpu.memref_slice %arg9[%add3A_34, %dma_wait3A_485] : memref<98304x32xf32, #tpu.memory_space<hbm>> -> memref<128x32xf32, #tpu.memory_space<hbm>>
      %dma_wait3A_487 = arith.constant 0 : i32
      %dma_wait3A_488 = tpu.memref_slice %arg9[%add3A_34, %dma_wait3A_487] : memref<98304x32xf32, #tpu.memory_space<hbm>> -> memref<128x32xf32, #tpu.memory_space<hbm>>
      tpu.wait_dma2 semaphore(%run_scoped3A : memref<!tpu.dma_semaphore, #tpu.memory_space<semaphore_mem>>) src(%arg12 : memref<128x32xf32, #tpu.memory_space<vmem>>) dst(%dma_wait3A_488 : memref<128x32xf32, #tpu.memory_space<hbm>>)
      tpu.yield
    }) : () -> ()
    %dma_start3A_233 = arith.constant 2 : i32
    %dma_start3A_234 = arith.constant 1 : i32
    %dma_start3A_235 = arith.constant 0 : i32
    %dma_start3A_236 = tpu.memref_slice %arg10[%dma_start3A_233, %dma_start3A_234, %dma_start3A_235] : memref<3x4x128xi32, #tpu.memory_space<vmem>> -> memref<1x1x128xi32, #tpu.memory_space<vmem>>
    %dma_start3A_237 = tpu.memref_squeeze %dma_start3A_236 : memref<1x1x128xi32, #tpu.memory_space<vmem>> -> memref<128xi32, #tpu.memory_space<vmem>>
    %dma_start3A_238 = arith.constant 0 : i32
    %dma_start3A_239 = arith.constant 0 : i32
    %dma_start3A_240 = tpu.memref_slice %arg5[%dma_start3A_238, %dma_start3A_239] : memref<100000x32xf32, #tpu.memory_space<hbm>> -> memref<100000x32xf32, #tpu.memory_space<hbm>>
    tpu.enqueue_indirect_dma source(%dma_start3A_240 : memref<100000x32xf32, #tpu.memory_space<hbm>>) target(%arg12 : memref<128x32xf32, #tpu.memory_space<vmem>>) offsets(%dma_start3A_237 : memref<128xi32, #tpu.memory_space<vmem>>) semaphore(%arg14 : memref<!tpu.dma_semaphore, #tpu.memory_space<semaphore_mem>>)
    %dma_wait3A_241 = arith.constant 2 : i32
    %dma_wait3A_242 = arith.constant 0 : i32
    %dma_wait3A_243 = arith.constant 0 : i32
    %dma_wait3A_244 = tpu.memref_slice %arg10[%dma_wait3A_241, %dma_wait3A_242, %dma_wait3A_243] : memref<3x4x128xi32, #tpu.memory_space<vmem>> -> memref<1x1x128xi32, #tpu.memory_space<vmem>>
    %dma_wait3A_245 = tpu.memref_squeeze %dma_wait3A_244 : memref<1x1x128xi32, #tpu.memory_space<vmem>> -> memref<128xi32, #tpu.memory_space<vmem>>
    %dma_wait3A_246 = arith.constant 0 : i32
    %dma_wait3A_247 = arith.constant 0 : i32
    %dma_wait3A_248 = tpu.memref_slice %arg5[%dma_wait3A_246, %dma_wait3A_247] : memref<100000x32xf32, #tpu.memory_space<hbm>> -> memref<100000x32xf32, #tpu.memory_space<hbm>>
    tpu.wait_indirect_dma semaphore(%arg13 : memref<!tpu.dma_semaphore, #tpu.memory_space<semaphore_mem>>) src(%dma_wait3A_248 : memref<100000x32xf32, #tpu.memory_space<hbm>>) dst(%arg11 : memref<128x32xf32, #tpu.memory_space<vmem>>)
    "tpu.region"() ({
      %run_scoped3A = tpu.sem_alloc : memref<!tpu.dma_semaphore, #tpu.memory_space<semaphore_mem>>
      %dma_start3A_481 = arith.constant 0 : i32
      %dma_start3A_482 = tpu.memref_slice %arg9[%add3A_38, %dma_start3A_481] : memref<98304x32xf32, #tpu.memory_space<hbm>> -> memref<128x32xf32, #tpu.memory_space<hbm>>
      %dma_start3A_483 = arith.constant 0 : i32
      %dma_start3A_484 = tpu.memref_slice %arg9[%add3A_38, %dma_start3A_483] : memref<98304x32xf32, #tpu.memory_space<hbm>> -> memref<128x32xf32, #tpu.memory_space<hbm>>
      tpu.enqueue_dma source(%arg11 : memref<128x32xf32, #tpu.memory_space<vmem>>) target(%dma_start3A_484 : memref<128x32xf32, #tpu.memory_space<hbm>>) target_semaphore(%run_scoped3A : memref<!tpu.dma_semaphore, #tpu.memory_space<semaphore_mem>>)
      %dma_wait3A_485 = arith.constant 0 : i32
      %dma_wait3A_486 = tpu.memref_slice %arg9[%add3A_38, %dma_wait3A_485] : memref<98304x32xf32, #tpu.memory_space<hbm>> -> memref<128x32xf32, #tpu.memory_space<hbm>>
      %dma_wait3A_487 = arith.constant 0 : i32
      %dma_wait3A_488 = tpu.memref_slice %arg9[%add3A_38, %dma_wait3A_487] : memref<98304x32xf32, #tpu.memory_space<hbm>> -> memref<128x32xf32, #tpu.memory_space<hbm>>
      tpu.wait_dma2 semaphore(%run_scoped3A : memref<!tpu.dma_semaphore, #tpu.memory_space<semaphore_mem>>) src(%arg11 : memref<128x32xf32, #tpu.memory_space<vmem>>) dst(%dma_wait3A_488 : memref<128x32xf32, #tpu.memory_space<hbm>>)
      tpu.yield
    }) : () -> ()
    %dma_start3A_249 = arith.constant 2 : i32
    %dma_start3A_250 = arith.constant 2 : i32
    %dma_start3A_251 = arith.constant 0 : i32
    %dma_start3A_252 = tpu.memref_slice %arg10[%dma_start3A_249, %dma_start3A_250, %dma_start3A_251] : memref<3x4x128xi32, #tpu.memory_space<vmem>> -> memref<1x1x128xi32, #tpu.memory_space<vmem>>
    %dma_start3A_253 = tpu.memref_squeeze %dma_start3A_252 : memref<1x1x128xi32, #tpu.memory_space<vmem>> -> memref<128xi32, #tpu.memory_space<vmem>>
    %dma_start3A_254 = arith.constant 0 : i32
    %dma_start3A_255 = arith.constant 0 : i32
    %dma_start3A_256 = tpu.memref_slice %arg5[%dma_start3A_254, %dma_start3A_255] : memref<100000x32xf32, #tpu.memory_space<hbm>> -> memref<100000x32xf32, #tpu.memory_space<hbm>>
    tpu.enqueue_indirect_dma source(%dma_start3A_256 : memref<100000x32xf32, #tpu.memory_space<hbm>>) target(%arg11 : memref<128x32xf32, #tpu.memory_space<vmem>>) offsets(%dma_start3A_253 : memref<128xi32, #tpu.memory_space<vmem>>) semaphore(%arg13 : memref<!tpu.dma_semaphore, #tpu.memory_space<semaphore_mem>>)
    %dma_wait3A_257 = arith.constant 2 : i32
    %dma_wait3A_258 = arith.constant 1 : i32
    %dma_wait3A_259 = arith.constant 0 : i32
    %dma_wait3A_260 = tpu.memref_slice %arg10[%dma_wait3A_257, %dma_wait3A_258, %dma_wait3A_259] : memref<3x4x128xi32, #tpu.memory_space<vmem>> -> memref<1x1x128xi32, #tpu.memory_space<vmem>>
    %dma_wait3A_261 = tpu.memref_squeeze %dma_wait3A_260 : memref<1x1x128xi32, #tpu.memory_space<vmem>> -> memref<128xi32, #tpu.memory_space<vmem>>
    %dma_wait3A_262 = arith.constant 0 : i32
    %dma_wait3A_263 = arith.constant 0 : i32
    %dma_wait3A_264 = tpu.memref_slice %arg5[%dma_wait3A_262, %dma_wait3A_263] : memref<100000x32xf32, #tpu.memory_space<hbm>> -> memref<100000x32xf32, #tpu.memory_space<hbm>>
    tpu.wait_indirect_dma semaphore(%arg14 : memref<!tpu.dma_semaphore, #tpu.memory_space<semaphore_mem>>) src(%dma_wait3A_264 : memref<100000x32xf32, #tpu.memory_space<hbm>>) dst(%arg12 : memref<128x32xf32, #tpu.memory_space<vmem>>)
    "tpu.region"() ({
      %run_scoped3A = tpu.sem_alloc : memref<!tpu.dma_semaphore, #tpu.memory_space<semaphore_mem>>
      %dma_start3A_481 = arith.constant 0 : i32
      %dma_start3A_482 = tpu.memref_slice %arg9[%add3A_42, %dma_start3A_481] : memref<98304x32xf32, #tpu.memory_space<hbm>> -> memref<128x32xf32, #tpu.memory_space<hbm>>
      %dma_start3A_483 = arith.constant 0 : i32
      %dma_start3A_484 = tpu.memref_slice %arg9[%add3A_42, %dma_start3A_483] : memref<98304x32xf32, #tpu.memory_space<hbm>> -> memref<128x32xf32, #tpu.memory_space<hbm>>
      tpu.enqueue_dma source(%arg12 : memref<128x32xf32, #tpu.memory_space<vmem>>) target(%dma_start3A_484 : memref<128x32xf32, #tpu.memory_space<hbm>>) target_semaphore(%run_scoped3A : memref<!tpu.dma_semaphore, #tpu.memory_space<semaphore_mem>>)
      %dma_wait3A_485 = arith.constant 0 : i32
      %dma_wait3A_486 = tpu.memref_slice %arg9[%add3A_42, %dma_wait3A_485] : memref<98304x32xf32, #tpu.memory_space<hbm>> -> memref<128x32xf32, #tpu.memory_space<hbm>>
      %dma_wait3A_487 = arith.constant 0 : i32
      %dma_wait3A_488 = tpu.memref_slice %arg9[%add3A_42, %dma_wait3A_487] : memref<98304x32xf32, #tpu.memory_space<hbm>> -> memref<128x32xf32, #tpu.memory_space<hbm>>
      tpu.wait_dma2 semaphore(%run_scoped3A : memref<!tpu.dma_semaphore, #tpu.memory_space<semaphore_mem>>) src(%arg12 : memref<128x32xf32, #tpu.memory_space<vmem>>) dst(%dma_wait3A_488 : memref<128x32xf32, #tpu.memory_space<hbm>>)
      tpu.yield
    }) : () -> ()
    %dma_start3A_265 = arith.constant 2 : i32
    %dma_start3A_266 = arith.constant 3 : i32
    %dma_start3A_267 = arith.constant 0 : i32
    %dma_start3A_268 = tpu.memref_slice %arg10[%dma_start3A_265, %dma_start3A_266, %dma_start3A_267] : memref<3x4x128xi32, #tpu.memory_space<vmem>> -> memref<1x1x128xi32, #tpu.memory_space<vmem>>
    %dma_start3A_269 = tpu.memref_squeeze %dma_start3A_268 : memref<1x1x128xi32, #tpu.memory_space<vmem>> -> memref<128xi32, #tpu.memory_space<vmem>>
    %dma_start3A_270 = arith.constant 0 : i32
    %dma_start3A_271 = arith.constant 0 : i32
    %dma_start3A_272 = tpu.memref_slice %arg5[%dma_start3A_270, %dma_start3A_271] : memref<100000x32xf32, #tpu.memory_space<hbm>> -> memref<100000x32xf32, #tpu.memory_space<hbm>>
    tpu.enqueue_indirect_dma source(%dma_start3A_272 : memref<100000x32xf32, #tpu.memory_space<hbm>>) target(%arg12 : memref<128x32xf32, #tpu.memory_space<vmem>>) offsets(%dma_start3A_269 : memref<128xi32, #tpu.memory_space<vmem>>) semaphore(%arg14 : memref<!tpu.dma_semaphore, #tpu.memory_space<semaphore_mem>>)
    %dma_wait3A_273 = arith.constant 2 : i32
    %dma_wait3A_274 = arith.constant 2 : i32
    %dma_wait3A_275 = arith.constant 0 : i32
    %dma_wait3A_276 = tpu.memref_slice %arg10[%dma_wait3A_273, %dma_wait3A_274, %dma_wait3A_275] : memref<3x4x128xi32, #tpu.memory_space<vmem>> -> memref<1x1x128xi32, #tpu.memory_space<vmem>>
    %dma_wait3A_277 = tpu.memref_squeeze %dma_wait3A_276 : memref<1x1x128xi32, #tpu.memory_space<vmem>> -> memref<128xi32, #tpu.memory_space<vmem>>
    %dma_wait3A_278 = arith.constant 0 : i32
    %dma_wait3A_279 = arith.constant 0 : i32
    %dma_wait3A_280 = tpu.memref_slice %arg5[%dma_wait3A_278, %dma_wait3A_279] : memref<100000x32xf32, #tpu.memory_space<hbm>> -> memref<100000x32xf32, #tpu.memory_space<hbm>>
    tpu.wait_indirect_dma semaphore(%arg13 : memref<!tpu.dma_semaphore, #tpu.memory_space<semaphore_mem>>) src(%dma_wait3A_280 : memref<100000x32xf32, #tpu.memory_space<hbm>>) dst(%arg11 : memref<128x32xf32, #tpu.memory_space<vmem>>)
    "tpu.region"() ({
      %run_scoped3A = tpu.sem_alloc : memref<!tpu.dma_semaphore, #tpu.memory_space<semaphore_mem>>
      %dma_start3A_481 = arith.constant 0 : i32
      %dma_start3A_482 = tpu.memref_slice %arg9[%add3A_46, %dma_start3A_481] : memref<98304x32xf32, #tpu.memory_space<hbm>> -> memref<128x32xf32, #tpu.memory_space<hbm>>
      %dma_start3A_483 = arith.constant 0 : i32
      %dma_start3A_484 = tpu.memref_slice %arg9[%add3A_46, %dma_start3A_483] : memref<98304x32xf32, #tpu.memory_space<hbm>> -> memref<128x32xf32, #tpu.memory_space<hbm>>
      tpu.enqueue_dma source(%arg11 : memref<128x32xf32, #tpu.memory_space<vmem>>) target(%dma_start3A_484 : memref<128x32xf32, #tpu.memory_space<hbm>>) target_semaphore(%run_scoped3A : memref<!tpu.dma_semaphore, #tpu.memory_space<semaphore_mem>>)
      %dma_wait3A_485 = arith.constant 0 : i32
      %dma_wait3A_486 = tpu.memref_slice %arg9[%add3A_46, %dma_wait3A_485] : memref<98304x32xf32, #tpu.memory_space<hbm>> -> memref<128x32xf32, #tpu.memory_space<hbm>>
      %dma_wait3A_487 = arith.constant 0 : i32
      %dma_wait3A_488 = tpu.memref_slice %arg9[%add3A_46, %dma_wait3A_487] : memref<98304x32xf32, #tpu.memory_space<hbm>> -> memref<128x32xf32, #tpu.memory_space<hbm>>
      tpu.wait_dma2 semaphore(%run_scoped3A : memref<!tpu.dma_semaphore, #tpu.memory_space<semaphore_mem>>) src(%arg11 : memref<128x32xf32, #tpu.memory_space<vmem>>) dst(%dma_wait3A_488 : memref<128x32xf32, #tpu.memory_space<hbm>>)
      tpu.yield
    }) : () -> ()
    %dma_start3A_281 = arith.constant 0 : i32
    %dma_start3A_282 = arith.constant 0 : i32
    %dma_start3A_283 = arith.constant 0 : i32
    %dma_start3A_284 = tpu.memref_slice %arg10[%dma_start3A_281, %dma_start3A_282, %dma_start3A_283] : memref<3x4x128xi32, #tpu.memory_space<vmem>> -> memref<1x1x128xi32, #tpu.memory_space<vmem>>
    %dma_start3A_285 = tpu.memref_squeeze %dma_start3A_284 : memref<1x1x128xi32, #tpu.memory_space<vmem>> -> memref<128xi32, #tpu.memory_space<vmem>>
    %dma_start3A_286 = arith.constant 0 : i32
    %dma_start3A_287 = arith.constant 0 : i32
    %dma_start3A_288 = tpu.memref_slice %arg6[%dma_start3A_286, %dma_start3A_287] : memref<100000x32xf32, #tpu.memory_space<hbm>> -> memref<100000x32xf32, #tpu.memory_space<hbm>>
    tpu.enqueue_indirect_dma source(%dma_start3A_288 : memref<100000x32xf32, #tpu.memory_space<hbm>>) target(%arg11 : memref<128x32xf32, #tpu.memory_space<vmem>>) offsets(%dma_start3A_285 : memref<128xi32, #tpu.memory_space<vmem>>) semaphore(%arg13 : memref<!tpu.dma_semaphore, #tpu.memory_space<semaphore_mem>>)
    %dma_wait3A_289 = arith.constant 2 : i32
    %dma_wait3A_290 = arith.constant 3 : i32
    %dma_wait3A_291 = arith.constant 0 : i32
    %dma_wait3A_292 = tpu.memref_slice %arg10[%dma_wait3A_289, %dma_wait3A_290, %dma_wait3A_291] : memref<3x4x128xi32, #tpu.memory_space<vmem>> -> memref<1x1x128xi32, #tpu.memory_space<vmem>>
    %dma_wait3A_293 = tpu.memref_squeeze %dma_wait3A_292 : memref<1x1x128xi32, #tpu.memory_space<vmem>> -> memref<128xi32, #tpu.memory_space<vmem>>
    %dma_wait3A_294 = arith.constant 0 : i32
    %dma_wait3A_295 = arith.constant 0 : i32
    %dma_wait3A_296 = tpu.memref_slice %arg5[%dma_wait3A_294, %dma_wait3A_295] : memref<100000x32xf32, #tpu.memory_space<hbm>> -> memref<100000x32xf32, #tpu.memory_space<hbm>>
    tpu.wait_indirect_dma semaphore(%arg14 : memref<!tpu.dma_semaphore, #tpu.memory_space<semaphore_mem>>) src(%dma_wait3A_296 : memref<100000x32xf32, #tpu.memory_space<hbm>>) dst(%arg12 : memref<128x32xf32, #tpu.memory_space<vmem>>)
    "tpu.region"() ({
      %run_scoped3A = tpu.sem_alloc : memref<!tpu.dma_semaphore, #tpu.memory_space<semaphore_mem>>
      %dma_start3A_481 = arith.constant 0 : i32
      %dma_start3A_482 = tpu.memref_slice %arg9[%add3A_50, %dma_start3A_481] : memref<98304x32xf32, #tpu.memory_space<hbm>> -> memref<128x32xf32, #tpu.memory_space<hbm>>
      %dma_start3A_483 = arith.constant 0 : i32
      %dma_start3A_484 = tpu.memref_slice %arg9[%add3A_50, %dma_start3A_483] : memref<98304x32xf32, #tpu.memory_space<hbm>> -> memref<128x32xf32, #tpu.memory_space<hbm>>
      tpu.enqueue_dma source(%arg12 : memref<128x32xf32, #tpu.memory_space<vmem>>) target(%dma_start3A_484 : memref<128x32xf32, #tpu.memory_space<hbm>>) target_semaphore(%run_scoped3A : memref<!tpu.dma_semaphore, #tpu.memory_space<semaphore_mem>>)
      %dma_wait3A_485 = arith.constant 0 : i32
      %dma_wait3A_486 = tpu.memref_slice %arg9[%add3A_50, %dma_wait3A_485] : memref<98304x32xf32, #tpu.memory_space<hbm>> -> memref<128x32xf32, #tpu.memory_space<hbm>>
      %dma_wait3A_487 = arith.constant 0 : i32
      %dma_wait3A_488 = tpu.memref_slice %arg9[%add3A_50, %dma_wait3A_487] : memref<98304x32xf32, #tpu.memory_space<hbm>> -> memref<128x32xf32, #tpu.memory_space<hbm>>
      tpu.wait_dma2 semaphore(%run_scoped3A : memref<!tpu.dma_semaphore, #tpu.memory_space<semaphore_mem>>) src(%arg12 : memref<128x32xf32, #tpu.memory_space<vmem>>) dst(%dma_wait3A_488 : memref<128x32xf32, #tpu.memory_space<hbm>>)
      tpu.yield
    }) : () -> ()
    %dma_start3A_297 = arith.constant 0 : i32
    %dma_start3A_298 = arith.constant 1 : i32
    %dma_start3A_299 = arith.constant 0 : i32
    %dma_start3A_300 = tpu.memref_slice %arg10[%dma_start3A_297, %dma_start3A_298, %dma_start3A_299] : memref<3x4x128xi32, #tpu.memory_space<vmem>> -> memref<1x1x128xi32, #tpu.memory_space<vmem>>
    %dma_start3A_301 = tpu.memref_squeeze %dma_start3A_300 : memref<1x1x128xi32, #tpu.memory_space<vmem>> -> memref<128xi32, #tpu.memory_space<vmem>>
    %dma_start3A_302 = arith.constant 0 : i32
    %dma_start3A_303 = arith.constant 0 : i32
    %dma_start3A_304 = tpu.memref_slice %arg6[%dma_start3A_302, %dma_start3A_303] : memref<100000x32xf32, #tpu.memory_space<hbm>> -> memref<100000x32xf32, #tpu.memory_space<hbm>>
    tpu.enqueue_indirect_dma source(%dma_start3A_304 : memref<100000x32xf32, #tpu.memory_space<hbm>>) target(%arg12 : memref<128x32xf32, #tpu.memory_space<vmem>>) offsets(%dma_start3A_301 : memref<128xi32, #tpu.memory_space<vmem>>) semaphore(%arg14 : memref<!tpu.dma_semaphore, #tpu.memory_space<semaphore_mem>>)
    %dma_wait3A_305 = arith.constant 0 : i32
    %dma_wait3A_306 = arith.constant 0 : i32
    %dma_wait3A_307 = arith.constant 0 : i32
    %dma_wait3A_308 = tpu.memref_slice %arg10[%dma_wait3A_305, %dma_wait3A_306, %dma_wait3A_307] : memref<3x4x128xi32, #tpu.memory_space<vmem>> -> memref<1x1x128xi32, #tpu.memory_space<vmem>>
    %dma_wait3A_309 = tpu.memref_squeeze %dma_wait3A_308 : memref<1x1x128xi32, #tpu.memory_space<vmem>> -> memref<128xi32, #tpu.memory_space<vmem>>
    %dma_wait3A_310 = arith.constant 0 : i32
    %dma_wait3A_311 = arith.constant 0 : i32
    %dma_wait3A_312 = tpu.memref_slice %arg6[%dma_wait3A_310, %dma_wait3A_311] : memref<100000x32xf32, #tpu.memory_space<hbm>> -> memref<100000x32xf32, #tpu.memory_space<hbm>>
    tpu.wait_indirect_dma semaphore(%arg13 : memref<!tpu.dma_semaphore, #tpu.memory_space<semaphore_mem>>) src(%dma_wait3A_312 : memref<100000x32xf32, #tpu.memory_space<hbm>>) dst(%arg11 : memref<128x32xf32, #tpu.memory_space<vmem>>)
    "tpu.region"() ({
      %run_scoped3A = tpu.sem_alloc : memref<!tpu.dma_semaphore, #tpu.memory_space<semaphore_mem>>
      %dma_start3A_481 = arith.constant 0 : i32
      %dma_start3A_482 = tpu.memref_slice %arg9[%add3A_54, %dma_start3A_481] : memref<98304x32xf32, #tpu.memory_space<hbm>> -> memref<128x32xf32, #tpu.memory_space<hbm>>
      %dma_start3A_483 = arith.constant 0 : i32
      %dma_start3A_484 = tpu.memref_slice %arg9[%add3A_54, %dma_start3A_483] : memref<98304x32xf32, #tpu.memory_space<hbm>> -> memref<128x32xf32, #tpu.memory_space<hbm>>
      tpu.enqueue_dma source(%arg11 : memref<128x32xf32, #tpu.memory_space<vmem>>) target(%dma_start3A_484 : memref<128x32xf32, #tpu.memory_space<hbm>>) target_semaphore(%run_scoped3A : memref<!tpu.dma_semaphore, #tpu.memory_space<semaphore_mem>>)
      %dma_wait3A_485 = arith.constant 0 : i32
      %dma_wait3A_486 = tpu.memref_slice %arg9[%add3A_54, %dma_wait3A_485] : memref<98304x32xf32, #tpu.memory_space<hbm>> -> memref<128x32xf32, #tpu.memory_space<hbm>>
      %dma_wait3A_487 = arith.constant 0 : i32
      %dma_wait3A_488 = tpu.memref_slice %arg9[%add3A_54, %dma_wait3A_487] : memref<98304x32xf32, #tpu.memory_space<hbm>> -> memref<128x32xf32, #tpu.memory_space<hbm>>
      tpu.wait_dma2 semaphore(%run_scoped3A : memref<!tpu.dma_semaphore, #tpu.memory_space<semaphore_mem>>) src(%arg11 : memref<128x32xf32, #tpu.memory_space<vmem>>) dst(%dma_wait3A_488 : memref<128x32xf32, #tpu.memory_space<hbm>>)
      tpu.yield
    }) : () -> ()
    %dma_start3A_313 = arith.constant 0 : i32
    %dma_start3A_314 = arith.constant 2 : i32
    %dma_start3A_315 = arith.constant 0 : i32
    %dma_start3A_316 = tpu.memref_slice %arg10[%dma_start3A_313, %dma_start3A_314, %dma_start3A_315] : memref<3x4x128xi32, #tpu.memory_space<vmem>> -> memref<1x1x128xi32, #tpu.memory_space<vmem>>
    %dma_start3A_317 = tpu.memref_squeeze %dma_start3A_316 : memref<1x1x128xi32, #tpu.memory_space<vmem>> -> memref<128xi32, #tpu.memory_space<vmem>>
    %dma_start3A_318 = arith.constant 0 : i32
    %dma_start3A_319 = arith.constant 0 : i32
    %dma_start3A_320 = tpu.memref_slice %arg6[%dma_start3A_318, %dma_start3A_319] : memref<100000x32xf32, #tpu.memory_space<hbm>> -> memref<100000x32xf32, #tpu.memory_space<hbm>>
    tpu.enqueue_indirect_dma source(%dma_start3A_320 : memref<100000x32xf32, #tpu.memory_space<hbm>>) target(%arg11 : memref<128x32xf32, #tpu.memory_space<vmem>>) offsets(%dma_start3A_317 : memref<128xi32, #tpu.memory_space<vmem>>) semaphore(%arg13 : memref<!tpu.dma_semaphore, #tpu.memory_space<semaphore_mem>>)
    %dma_wait3A_321 = arith.constant 0 : i32
    %dma_wait3A_322 = arith.constant 1 : i32
    %dma_wait3A_323 = arith.constant 0 : i32
    %dma_wait3A_324 = tpu.memref_slice %arg10[%dma_wait3A_321, %dma_wait3A_322, %dma_wait3A_323] : memref<3x4x128xi32, #tpu.memory_space<vmem>> -> memref<1x1x128xi32, #tpu.memory_space<vmem>>
    %dma_wait3A_325 = tpu.memref_squeeze %dma_wait3A_324 : memref<1x1x128xi32, #tpu.memory_space<vmem>> -> memref<128xi32, #tpu.memory_space<vmem>>
    %dma_wait3A_326 = arith.constant 0 : i32
    %dma_wait3A_327 = arith.constant 0 : i32
    %dma_wait3A_328 = tpu.memref_slice %arg6[%dma_wait3A_326, %dma_wait3A_327] : memref<100000x32xf32, #tpu.memory_space<hbm>> -> memref<100000x32xf32, #tpu.memory_space<hbm>>
    tpu.wait_indirect_dma semaphore(%arg14 : memref<!tpu.dma_semaphore, #tpu.memory_space<semaphore_mem>>) src(%dma_wait3A_328 : memref<100000x32xf32, #tpu.memory_space<hbm>>) dst(%arg12 : memref<128x32xf32, #tpu.memory_space<vmem>>)
    "tpu.region"() ({
      %run_scoped3A = tpu.sem_alloc : memref<!tpu.dma_semaphore, #tpu.memory_space<semaphore_mem>>
      %dma_start3A_481 = arith.constant 0 : i32
      %dma_start3A_482 = tpu.memref_slice %arg9[%add3A_58, %dma_start3A_481] : memref<98304x32xf32, #tpu.memory_space<hbm>> -> memref<128x32xf32, #tpu.memory_space<hbm>>
      %dma_start3A_483 = arith.constant 0 : i32
      %dma_start3A_484 = tpu.memref_slice %arg9[%add3A_58, %dma_start3A_483] : memref<98304x32xf32, #tpu.memory_space<hbm>> -> memref<128x32xf32, #tpu.memory_space<hbm>>
      tpu.enqueue_dma source(%arg12 : memref<128x32xf32, #tpu.memory_space<vmem>>) target(%dma_start3A_484 : memref<128x32xf32, #tpu.memory_space<hbm>>) target_semaphore(%run_scoped3A : memref<!tpu.dma_semaphore, #tpu.memory_space<semaphore_mem>>)
      %dma_wait3A_485 = arith.constant 0 : i32
      %dma_wait3A_486 = tpu.memref_slice %arg9[%add3A_58, %dma_wait3A_485] : memref<98304x32xf32, #tpu.memory_space<hbm>> -> memref<128x32xf32, #tpu.memory_space<hbm>>
      %dma_wait3A_487 = arith.constant 0 : i32
      %dma_wait3A_488 = tpu.memref_slice %arg9[%add3A_58, %dma_wait3A_487] : memref<98304x32xf32, #tpu.memory_space<hbm>> -> memref<128x32xf32, #tpu.memory_space<hbm>>
      tpu.wait_dma2 semaphore(%run_scoped3A : memref<!tpu.dma_semaphore, #tpu.memory_space<semaphore_mem>>) src(%arg12 : memref<128x32xf32, #tpu.memory_space<vmem>>) dst(%dma_wait3A_488 : memref<128x32xf32, #tpu.memory_space<hbm>>)
      tpu.yield
    }) : () -> ()
    %dma_start3A_329 = arith.constant 0 : i32
    %dma_start3A_330 = arith.constant 3 : i32
    %dma_start3A_331 = arith.constant 0 : i32
    %dma_start3A_332 = tpu.memref_slice %arg10[%dma_start3A_329, %dma_start3A_330, %dma_start3A_331] : memref<3x4x128xi32, #tpu.memory_space<vmem>> -> memref<1x1x128xi32, #tpu.memory_space<vmem>>
    %dma_start3A_333 = tpu.memref_squeeze %dma_start3A_332 : memref<1x1x128xi32, #tpu.memory_space<vmem>> -> memref<128xi32, #tpu.memory_space<vmem>>
    %dma_start3A_334 = arith.constant 0 : i32
    %dma_start3A_335 = arith.constant 0 : i32
    %dma_start3A_336 = tpu.memref_slice %arg6[%dma_start3A_334, %dma_start3A_335] : memref<100000x32xf32, #tpu.memory_space<hbm>> -> memref<100000x32xf32, #tpu.memory_space<hbm>>
    tpu.enqueue_indirect_dma source(%dma_start3A_336 : memref<100000x32xf32, #tpu.memory_space<hbm>>) target(%arg12 : memref<128x32xf32, #tpu.memory_space<vmem>>) offsets(%dma_start3A_333 : memref<128xi32, #tpu.memory_space<vmem>>) semaphore(%arg14 : memref<!tpu.dma_semaphore, #tpu.memory_space<semaphore_mem>>)
    %dma_wait3A_337 = arith.constant 0 : i32
    %dma_wait3A_338 = arith.constant 2 : i32
    %dma_wait3A_339 = arith.constant 0 : i32
    %dma_wait3A_340 = tpu.memref_slice %arg10[%dma_wait3A_337, %dma_wait3A_338, %dma_wait3A_339] : memref<3x4x128xi32, #tpu.memory_space<vmem>> -> memref<1x1x128xi32, #tpu.memory_space<vmem>>
    %dma_wait3A_341 = tpu.memref_squeeze %dma_wait3A_340 : memref<1x1x128xi32, #tpu.memory_space<vmem>> -> memref<128xi32, #tpu.memory_space<vmem>>
    %dma_wait3A_342 = arith.constant 0 : i32
    %dma_wait3A_343 = arith.constant 0 : i32
    %dma_wait3A_344 = tpu.memref_slice %arg6[%dma_wait3A_342, %dma_wait3A_343] : memref<100000x32xf32, #tpu.memory_space<hbm>> -> memref<100000x32xf32, #tpu.memory_space<hbm>>
    tpu.wait_indirect_dma semaphore(%arg13 : memref<!tpu.dma_semaphore, #tpu.memory_space<semaphore_mem>>) src(%dma_wait3A_344 : memref<100000x32xf32, #tpu.memory_space<hbm>>) dst(%arg11 : memref<128x32xf32, #tpu.memory_space<vmem>>)
    "tpu.region"() ({
      %run_scoped3A = tpu.sem_alloc : memref<!tpu.dma_semaphore, #tpu.memory_space<semaphore_mem>>
      %dma_start3A_481 = arith.constant 0 : i32
      %dma_start3A_482 = tpu.memref_slice %arg9[%add3A_62, %dma_start3A_481] : memref<98304x32xf32, #tpu.memory_space<hbm>> -> memref<128x32xf32, #tpu.memory_space<hbm>>
      %dma_start3A_483 = arith.constant 0 : i32
      %dma_start3A_484 = tpu.memref_slice %arg9[%add3A_62, %dma_start3A_483] : memref<98304x32xf32, #tpu.memory_space<hbm>> -> memref<128x32xf32, #tpu.memory_space<hbm>>
      tpu.enqueue_dma source(%arg11 : memref<128x32xf32, #tpu.memory_space<vmem>>) target(%dma_start3A_484 : memref<128x32xf32, #tpu.memory_space<hbm>>) target_semaphore(%run_scoped3A : memref<!tpu.dma_semaphore, #tpu.memory_space<semaphore_mem>>)
      %dma_wait3A_485 = arith.constant 0 : i32
      %dma_wait3A_486 = tpu.memref_slice %arg9[%add3A_62, %dma_wait3A_485] : memref<98304x32xf32, #tpu.memory_space<hbm>> -> memref<128x32xf32, #tpu.memory_space<hbm>>
      %dma_wait3A_487 = arith.constant 0 : i32
      %dma_wait3A_488 = tpu.memref_slice %arg9[%add3A_62, %dma_wait3A_487] : memref<98304x32xf32, #tpu.memory_space<hbm>> -> memref<128x32xf32, #tpu.memory_space<hbm>>
      tpu.wait_dma2 semaphore(%run_scoped3A : memref<!tpu.dma_semaphore, #tpu.memory_space<semaphore_mem>>) src(%arg11 : memref<128x32xf32, #tpu.memory_space<vmem>>) dst(%dma_wait3A_488 : memref<128x32xf32, #tpu.memory_space<hbm>>)
      tpu.yield
    }) : () -> ()
    %dma_start3A_345 = arith.constant 1 : i32
    %dma_start3A_346 = arith.constant 0 : i32
    %dma_start3A_347 = arith.constant 0 : i32
    %dma_start3A_348 = tpu.memref_slice %arg10[%dma_start3A_345, %dma_start3A_346, %dma_start3A_347] : memref<3x4x128xi32, #tpu.memory_space<vmem>> -> memref<1x1x128xi32, #tpu.memory_space<vmem>>
    %dma_start3A_349 = tpu.memref_squeeze %dma_start3A_348 : memref<1x1x128xi32, #tpu.memory_space<vmem>> -> memref<128xi32, #tpu.memory_space<vmem>>
    %dma_start3A_350 = arith.constant 0 : i32
    %dma_start3A_351 = arith.constant 0 : i32
    %dma_start3A_352 = tpu.memref_slice %arg7[%dma_start3A_350, %dma_start3A_351] : memref<100000x32xf32, #tpu.memory_space<hbm>> -> memref<100000x32xf32, #tpu.memory_space<hbm>>
    tpu.enqueue_indirect_dma source(%dma_start3A_352 : memref<100000x32xf32, #tpu.memory_space<hbm>>) target(%arg11 : memref<128x32xf32, #tpu.memory_space<vmem>>) offsets(%dma_start3A_349 : memref<128xi32, #tpu.memory_space<vmem>>) semaphore(%arg13 : memref<!tpu.dma_semaphore, #tpu.memory_space<semaphore_mem>>)
    %dma_wait3A_353 = arith.constant 0 : i32
    %dma_wait3A_354 = arith.constant 3 : i32
    %dma_wait3A_355 = arith.constant 0 : i32
    %dma_wait3A_356 = tpu.memref_slice %arg10[%dma_wait3A_353, %dma_wait3A_354, %dma_wait3A_355] : memref<3x4x128xi32, #tpu.memory_space<vmem>> -> memref<1x1x128xi32, #tpu.memory_space<vmem>>
    %dma_wait3A_357 = tpu.memref_squeeze %dma_wait3A_356 : memref<1x1x128xi32, #tpu.memory_space<vmem>> -> memref<128xi32, #tpu.memory_space<vmem>>
    %dma_wait3A_358 = arith.constant 0 : i32
    %dma_wait3A_359 = arith.constant 0 : i32
    %dma_wait3A_360 = tpu.memref_slice %arg6[%dma_wait3A_358, %dma_wait3A_359] : memref<100000x32xf32, #tpu.memory_space<hbm>> -> memref<100000x32xf32, #tpu.memory_space<hbm>>
    tpu.wait_indirect_dma semaphore(%arg14 : memref<!tpu.dma_semaphore, #tpu.memory_space<semaphore_mem>>) src(%dma_wait3A_360 : memref<100000x32xf32, #tpu.memory_space<hbm>>) dst(%arg12 : memref<128x32xf32, #tpu.memory_space<vmem>>)
    "tpu.region"() ({
      %run_scoped3A = tpu.sem_alloc : memref<!tpu.dma_semaphore, #tpu.memory_space<semaphore_mem>>
      %dma_start3A_481 = arith.constant 0 : i32
      %dma_start3A_482 = tpu.memref_slice %arg9[%add3A_66, %dma_start3A_481] : memref<98304x32xf32, #tpu.memory_space<hbm>> -> memref<128x32xf32, #tpu.memory_space<hbm>>
      %dma_start3A_483 = arith.constant 0 : i32
      %dma_start3A_484 = tpu.memref_slice %arg9[%add3A_66, %dma_start3A_483] : memref<98304x32xf32, #tpu.memory_space<hbm>> -> memref<128x32xf32, #tpu.memory_space<hbm>>
      tpu.enqueue_dma source(%arg12 : memref<128x32xf32, #tpu.memory_space<vmem>>) target(%dma_start3A_484 : memref<128x32xf32, #tpu.memory_space<hbm>>) target_semaphore(%run_scoped3A : memref<!tpu.dma_semaphore, #tpu.memory_space<semaphore_mem>>)
      %dma_wait3A_485 = arith.constant 0 : i32
      %dma_wait3A_486 = tpu.memref_slice %arg9[%add3A_66, %dma_wait3A_485] : memref<98304x32xf32, #tpu.memory_space<hbm>> -> memref<128x32xf32, #tpu.memory_space<hbm>>
      %dma_wait3A_487 = arith.constant 0 : i32
      %dma_wait3A_488 = tpu.memref_slice %arg9[%add3A_66, %dma_wait3A_487] : memref<98304x32xf32, #tpu.memory_space<hbm>> -> memref<128x32xf32, #tpu.memory_space<hbm>>
      tpu.wait_dma2 semaphore(%run_scoped3A : memref<!tpu.dma_semaphore, #tpu.memory_space<semaphore_mem>>) src(%arg12 : memref<128x32xf32, #tpu.memory_space<vmem>>) dst(%dma_wait3A_488 : memref<128x32xf32, #tpu.memory_space<hbm>>)
      tpu.yield
    }) : () -> ()
    %dma_start3A_361 = arith.constant 1 : i32
    %dma_start3A_362 = arith.constant 1 : i32
    %dma_start3A_363 = arith.constant 0 : i32
    %dma_start3A_364 = tpu.memref_slice %arg10[%dma_start3A_361, %dma_start3A_362, %dma_start3A_363] : memref<3x4x128xi32, #tpu.memory_space<vmem>> -> memref<1x1x128xi32, #tpu.memory_space<vmem>>
    %dma_start3A_365 = tpu.memref_squeeze %dma_start3A_364 : memref<1x1x128xi32, #tpu.memory_space<vmem>> -> memref<128xi32, #tpu.memory_space<vmem>>
    %dma_start3A_366 = arith.constant 0 : i32
    %dma_start3A_367 = arith.constant 0 : i32
    %dma_start3A_368 = tpu.memref_slice %arg7[%dma_start3A_366, %dma_start3A_367] : memref<100000x32xf32, #tpu.memory_space<hbm>> -> memref<100000x32xf32, #tpu.memory_space<hbm>>
    tpu.enqueue_indirect_dma source(%dma_start3A_368 : memref<100000x32xf32, #tpu.memory_space<hbm>>) target(%arg12 : memref<128x32xf32, #tpu.memory_space<vmem>>) offsets(%dma_start3A_365 : memref<128xi32, #tpu.memory_space<vmem>>) semaphore(%arg14 : memref<!tpu.dma_semaphore, #tpu.memory_space<semaphore_mem>>)
    %dma_wait3A_369 = arith.constant 1 : i32
    %dma_wait3A_370 = arith.constant 0 : i32
    %dma_wait3A_371 = arith.constant 0 : i32
    %dma_wait3A_372 = tpu.memref_slice %arg10[%dma_wait3A_369, %dma_wait3A_370, %dma_wait3A_371] : memref<3x4x128xi32, #tpu.memory_space<vmem>> -> memref<1x1x128xi32, #tpu.memory_space<vmem>>
    %dma_wait3A_373 = tpu.memref_squeeze %dma_wait3A_372 : memref<1x1x128xi32, #tpu.memory_space<vmem>> -> memref<128xi32, #tpu.memory_space<vmem>>
    %dma_wait3A_374 = arith.constant 0 : i32
    %dma_wait3A_375 = arith.constant 0 : i32
    %dma_wait3A_376 = tpu.memref_slice %arg7[%dma_wait3A_374, %dma_wait3A_375] : memref<100000x32xf32, #tpu.memory_space<hbm>> -> memref<100000x32xf32, #tpu.memory_space<hbm>>
    tpu.wait_indirect_dma semaphore(%arg13 : memref<!tpu.dma_semaphore, #tpu.memory_space<semaphore_mem>>) src(%dma_wait3A_376 : memref<100000x32xf32, #tpu.memory_space<hbm>>) dst(%arg11 : memref<128x32xf32, #tpu.memory_space<vmem>>)
    "tpu.region"() ({
      %run_scoped3A = tpu.sem_alloc : memref<!tpu.dma_semaphore, #tpu.memory_space<semaphore_mem>>
      %dma_start3A_481 = arith.constant 0 : i32
      %dma_start3A_482 = tpu.memref_slice %arg9[%add3A_70, %dma_start3A_481] : memref<98304x32xf32, #tpu.memory_space<hbm>> -> memref<128x32xf32, #tpu.memory_space<hbm>>
      %dma_start3A_483 = arith.constant 0 : i32
      %dma_start3A_484 = tpu.memref_slice %arg9[%add3A_70, %dma_start3A_483] : memref<98304x32xf32, #tpu.memory_space<hbm>> -> memref<128x32xf32, #tpu.memory_space<hbm>>
      tpu.enqueue_dma source(%arg11 : memref<128x32xf32, #tpu.memory_space<vmem>>) target(%dma_start3A_484 : memref<128x32xf32, #tpu.memory_space<hbm>>) target_semaphore(%run_scoped3A : memref<!tpu.dma_semaphore, #tpu.memory_space<semaphore_mem>>)
      %dma_wait3A_485 = arith.constant 0 : i32
      %dma_wait3A_486 = tpu.memref_slice %arg9[%add3A_70, %dma_wait3A_485] : memref<98304x32xf32, #tpu.memory_space<hbm>> -> memref<128x32xf32, #tpu.memory_space<hbm>>
      %dma_wait3A_487 = arith.constant 0 : i32
      %dma_wait3A_488 = tpu.memref_slice %arg9[%add3A_70, %dma_wait3A_487] : memref<98304x32xf32, #tpu.memory_space<hbm>> -> memref<128x32xf32, #tpu.memory_space<hbm>>
      tpu.wait_dma2 semaphore(%run_scoped3A : memref<!tpu.dma_semaphore, #tpu.memory_space<semaphore_mem>>) src(%arg11 : memref<128x32xf32, #tpu.memory_space<vmem>>) dst(%dma_wait3A_488 : memref<128x32xf32, #tpu.memory_space<hbm>>)
      tpu.yield
    }) : () -> ()
    %dma_start3A_377 = arith.constant 1 : i32
    %dma_start3A_378 = arith.constant 2 : i32
    %dma_start3A_379 = arith.constant 0 : i32
    %dma_start3A_380 = tpu.memref_slice %arg10[%dma_start3A_377, %dma_start3A_378, %dma_start3A_379] : memref<3x4x128xi32, #tpu.memory_space<vmem>> -> memref<1x1x128xi32, #tpu.memory_space<vmem>>
    %dma_start3A_381 = tpu.memref_squeeze %dma_start3A_380 : memref<1x1x128xi32, #tpu.memory_space<vmem>> -> memref<128xi32, #tpu.memory_space<vmem>>
    %dma_start3A_382 = arith.constant 0 : i32
    %dma_start3A_383 = arith.constant 0 : i32
    %dma_start3A_384 = tpu.memref_slice %arg7[%dma_start3A_382, %dma_start3A_383] : memref<100000x32xf32, #tpu.memory_space<hbm>> -> memref<100000x32xf32, #tpu.memory_space<hbm>>
    tpu.enqueue_indirect_dma source(%dma_start3A_384 : memref<100000x32xf32, #tpu.memory_space<hbm>>) target(%arg11 : memref<128x32xf32, #tpu.memory_space<vmem>>) offsets(%dma_start3A_381 : memref<128xi32, #tpu.memory_space<vmem>>) semaphore(%arg13 : memref<!tpu.dma_semaphore, #tpu.memory_space<semaphore_mem>>)
    %dma_wait3A_385 = arith.constant 1 : i32
    %dma_wait3A_386 = arith.constant 1 : i32
    %dma_wait3A_387 = arith.constant 0 : i32
    %dma_wait3A_388 = tpu.memref_slice %arg10[%dma_wait3A_385, %dma_wait3A_386, %dma_wait3A_387] : memref<3x4x128xi32, #tpu.memory_space<vmem>> -> memref<1x1x128xi32, #tpu.memory_space<vmem>>
    %dma_wait3A_389 = tpu.memref_squeeze %dma_wait3A_388 : memref<1x1x128xi32, #tpu.memory_space<vmem>> -> memref<128xi32, #tpu.memory_space<vmem>>
    %dma_wait3A_390 = arith.constant 0 : i32
    %dma_wait3A_391 = arith.constant 0 : i32
    %dma_wait3A_392 = tpu.memref_slice %arg7[%dma_wait3A_390, %dma_wait3A_391] : memref<100000x32xf32, #tpu.memory_space<hbm>> -> memref<100000x32xf32, #tpu.memory_space<hbm>>
    tpu.wait_indirect_dma semaphore(%arg14 : memref<!tpu.dma_semaphore, #tpu.memory_space<semaphore_mem>>) src(%dma_wait3A_392 : memref<100000x32xf32, #tpu.memory_space<hbm>>) dst(%arg12 : memref<128x32xf32, #tpu.memory_space<vmem>>)
    "tpu.region"() ({
      %run_scoped3A = tpu.sem_alloc : memref<!tpu.dma_semaphore, #tpu.memory_space<semaphore_mem>>
      %dma_start3A_481 = arith.constant 0 : i32
      %dma_start3A_482 = tpu.memref_slice %arg9[%add3A_74, %dma_start3A_481] : memref<98304x32xf32, #tpu.memory_space<hbm>> -> memref<128x32xf32, #tpu.memory_space<hbm>>
      %dma_start3A_483 = arith.constant 0 : i32
      %dma_start3A_484 = tpu.memref_slice %arg9[%add3A_74, %dma_start3A_483] : memref<98304x32xf32, #tpu.memory_space<hbm>> -> memref<128x32xf32, #tpu.memory_space<hbm>>
      tpu.enqueue_dma source(%arg12 : memref<128x32xf32, #tpu.memory_space<vmem>>) target(%dma_start3A_484 : memref<128x32xf32, #tpu.memory_space<hbm>>) target_semaphore(%run_scoped3A : memref<!tpu.dma_semaphore, #tpu.memory_space<semaphore_mem>>)
      %dma_wait3A_485 = arith.constant 0 : i32
      %dma_wait3A_486 = tpu.memref_slice %arg9[%add3A_74, %dma_wait3A_485] : memref<98304x32xf32, #tpu.memory_space<hbm>> -> memref<128x32xf32, #tpu.memory_space<hbm>>
      %dma_wait3A_487 = arith.constant 0 : i32
      %dma_wait3A_488 = tpu.memref_slice %arg9[%add3A_74, %dma_wait3A_487] : memref<98304x32xf32, #tpu.memory_space<hbm>> -> memref<128x32xf32, #tpu.memory_space<hbm>>
      tpu.wait_dma2 semaphore(%run_scoped3A : memref<!tpu.dma_semaphore, #tpu.memory_space<semaphore_mem>>) src(%arg12 : memref<128x32xf32, #tpu.memory_space<vmem>>) dst(%dma_wait3A_488 : memref<128x32xf32, #tpu.memory_space<hbm>>)
      tpu.yield
    }) : () -> ()
    %dma_start3A_393 = arith.constant 1 : i32
    %dma_start3A_394 = arith.constant 3 : i32
    %dma_start3A_395 = arith.constant 0 : i32
    %dma_start3A_396 = tpu.memref_slice %arg10[%dma_start3A_393, %dma_start3A_394, %dma_start3A_395] : memref<3x4x128xi32, #tpu.memory_space<vmem>> -> memref<1x1x128xi32, #tpu.memory_space<vmem>>
    %dma_start3A_397 = tpu.memref_squeeze %dma_start3A_396 : memref<1x1x128xi32, #tpu.memory_space<vmem>> -> memref<128xi32, #tpu.memory_space<vmem>>
    %dma_start3A_398 = arith.constant 0 : i32
    %dma_start3A_399 = arith.constant 0 : i32
    %dma_start3A_400 = tpu.memref_slice %arg7[%dma_start3A_398, %dma_start3A_399] : memref<100000x32xf32, #tpu.memory_space<hbm>> -> memref<100000x32xf32, #tpu.memory_space<hbm>>
    tpu.enqueue_indirect_dma source(%dma_start3A_400 : memref<100000x32xf32, #tpu.memory_space<hbm>>) target(%arg12 : memref<128x32xf32, #tpu.memory_space<vmem>>) offsets(%dma_start3A_397 : memref<128xi32, #tpu.memory_space<vmem>>) semaphore(%arg14 : memref<!tpu.dma_semaphore, #tpu.memory_space<semaphore_mem>>)
    %dma_wait3A_401 = arith.constant 1 : i32
    %dma_wait3A_402 = arith.constant 2 : i32
    %dma_wait3A_403 = arith.constant 0 : i32
    %dma_wait3A_404 = tpu.memref_slice %arg10[%dma_wait3A_401, %dma_wait3A_402, %dma_wait3A_403] : memref<3x4x128xi32, #tpu.memory_space<vmem>> -> memref<1x1x128xi32, #tpu.memory_space<vmem>>
    %dma_wait3A_405 = tpu.memref_squeeze %dma_wait3A_404 : memref<1x1x128xi32, #tpu.memory_space<vmem>> -> memref<128xi32, #tpu.memory_space<vmem>>
    %dma_wait3A_406 = arith.constant 0 : i32
    %dma_wait3A_407 = arith.constant 0 : i32
    %dma_wait3A_408 = tpu.memref_slice %arg7[%dma_wait3A_406, %dma_wait3A_407] : memref<100000x32xf32, #tpu.memory_space<hbm>> -> memref<100000x32xf32, #tpu.memory_space<hbm>>
    tpu.wait_indirect_dma semaphore(%arg13 : memref<!tpu.dma_semaphore, #tpu.memory_space<semaphore_mem>>) src(%dma_wait3A_408 : memref<100000x32xf32, #tpu.memory_space<hbm>>) dst(%arg11 : memref<128x32xf32, #tpu.memory_space<vmem>>)
    "tpu.region"() ({
      %run_scoped3A = tpu.sem_alloc : memref<!tpu.dma_semaphore, #tpu.memory_space<semaphore_mem>>
      %dma_start3A_481 = arith.constant 0 : i32
      %dma_start3A_482 = tpu.memref_slice %arg9[%add3A_78, %dma_start3A_481] : memref<98304x32xf32, #tpu.memory_space<hbm>> -> memref<128x32xf32, #tpu.memory_space<hbm>>
      %dma_start3A_483 = arith.constant 0 : i32
      %dma_start3A_484 = tpu.memref_slice %arg9[%add3A_78, %dma_start3A_483] : memref<98304x32xf32, #tpu.memory_space<hbm>> -> memref<128x32xf32, #tpu.memory_space<hbm>>
      tpu.enqueue_dma source(%arg11 : memref<128x32xf32, #tpu.memory_space<vmem>>) target(%dma_start3A_484 : memref<128x32xf32, #tpu.memory_space<hbm>>) target_semaphore(%run_scoped3A : memref<!tpu.dma_semaphore, #tpu.memory_space<semaphore_mem>>)
      %dma_wait3A_485 = arith.constant 0 : i32
      %dma_wait3A_486 = tpu.memref_slice %arg9[%add3A_78, %dma_wait3A_485] : memref<98304x32xf32, #tpu.memory_space<hbm>> -> memref<128x32xf32, #tpu.memory_space<hbm>>
      %dma_wait3A_487 = arith.constant 0 : i32
      %dma_wait3A_488 = tpu.memref_slice %arg9[%add3A_78, %dma_wait3A_487] : memref<98304x32xf32, #tpu.memory_space<hbm>> -> memref<128x32xf32, #tpu.memory_space<hbm>>
      tpu.wait_dma2 semaphore(%run_scoped3A : memref<!tpu.dma_semaphore, #tpu.memory_space<semaphore_mem>>) src(%arg11 : memref<128x32xf32, #tpu.memory_space<vmem>>) dst(%dma_wait3A_488 : memref<128x32xf32, #tpu.memory_space<hbm>>)
      tpu.yield
    }) : () -> ()
    %dma_start3A_409 = arith.constant 2 : i32
    %dma_start3A_410 = arith.constant 0 : i32
    %dma_start3A_411 = arith.constant 0 : i32
    %dma_start3A_412 = tpu.memref_slice %arg10[%dma_start3A_409, %dma_start3A_410, %dma_start3A_411] : memref<3x4x128xi32, #tpu.memory_space<vmem>> -> memref<1x1x128xi32, #tpu.memory_space<vmem>>
    %dma_start3A_413 = tpu.memref_squeeze %dma_start3A_412 : memref<1x1x128xi32, #tpu.memory_space<vmem>> -> memref<128xi32, #tpu.memory_space<vmem>>
    %dma_start3A_414 = arith.constant 0 : i32
    %dma_start3A_415 = arith.constant 0 : i32
    %dma_start3A_416 = tpu.memref_slice %arg8[%dma_start3A_414, %dma_start3A_415] : memref<100000x32xf32, #tpu.memory_space<hbm>> -> memref<100000x32xf32, #tpu.memory_space<hbm>>
    tpu.enqueue_indirect_dma source(%dma_start3A_416 : memref<100000x32xf32, #tpu.memory_space<hbm>>) target(%arg11 : memref<128x32xf32, #tpu.memory_space<vmem>>) offsets(%dma_start3A_413 : memref<128xi32, #tpu.memory_space<vmem>>) semaphore(%arg13 : memref<!tpu.dma_semaphore, #tpu.memory_space<semaphore_mem>>)
    %dma_wait3A_417 = arith.constant 1 : i32
    %dma_wait3A_418 = arith.constant 3 : i32
    %dma_wait3A_419 = arith.constant 0 : i32
    %dma_wait3A_420 = tpu.memref_slice %arg10[%dma_wait3A_417, %dma_wait3A_418, %dma_wait3A_419] : memref<3x4x128xi32, #tpu.memory_space<vmem>> -> memref<1x1x128xi32, #tpu.memory_space<vmem>>
    %dma_wait3A_421 = tpu.memref_squeeze %dma_wait3A_420 : memref<1x1x128xi32, #tpu.memory_space<vmem>> -> memref<128xi32, #tpu.memory_space<vmem>>
    %dma_wait3A_422 = arith.constant 0 : i32
    %dma_wait3A_423 = arith.constant 0 : i32
    %dma_wait3A_424 = tpu.memref_slice %arg7[%dma_wait3A_422, %dma_wait3A_423] : memref<100000x32xf32, #tpu.memory_space<hbm>> -> memref<100000x32xf32, #tpu.memory_space<hbm>>
    tpu.wait_indirect_dma semaphore(%arg14 : memref<!tpu.dma_semaphore, #tpu.memory_space<semaphore_mem>>) src(%dma_wait3A_424 : memref<100000x32xf32, #tpu.memory_space<hbm>>) dst(%arg12 : memref<128x32xf32, #tpu.memory_space<vmem>>)
    "tpu.region"() ({
      %run_scoped3A = tpu.sem_alloc : memref<!tpu.dma_semaphore, #tpu.memory_space<semaphore_mem>>
      %dma_start3A_481 = arith.constant 0 : i32
      %dma_start3A_482 = tpu.memref_slice %arg9[%add3A_82, %dma_start3A_481] : memref<98304x32xf32, #tpu.memory_space<hbm>> -> memref<128x32xf32, #tpu.memory_space<hbm>>
      %dma_start3A_483 = arith.constant 0 : i32
      %dma_start3A_484 = tpu.memref_slice %arg9[%add3A_82, %dma_start3A_483] : memref<98304x32xf32, #tpu.memory_space<hbm>> -> memref<128x32xf32, #tpu.memory_space<hbm>>
      tpu.enqueue_dma source(%arg12 : memref<128x32xf32, #tpu.memory_space<vmem>>) target(%dma_start3A_484 : memref<128x32xf32, #tpu.memory_space<hbm>>) target_semaphore(%run_scoped3A : memref<!tpu.dma_semaphore, #tpu.memory_space<semaphore_mem>>)
      %dma_wait3A_485 = arith.constant 0 : i32
      %dma_wait3A_486 = tpu.memref_slice %arg9[%add3A_82, %dma_wait3A_485] : memref<98304x32xf32, #tpu.memory_space<hbm>> -> memref<128x32xf32, #tpu.memory_space<hbm>>
      %dma_wait3A_487 = arith.constant 0 : i32
      %dma_wait3A_488 = tpu.memref_slice %arg9[%add3A_82, %dma_wait3A_487] : memref<98304x32xf32, #tpu.memory_space<hbm>> -> memref<128x32xf32, #tpu.memory_space<hbm>>
      tpu.wait_dma2 semaphore(%run_scoped3A : memref<!tpu.dma_semaphore, #tpu.memory_space<semaphore_mem>>) src(%arg12 : memref<128x32xf32, #tpu.memory_space<vmem>>) dst(%dma_wait3A_488 : memref<128x32xf32, #tpu.memory_space<hbm>>)
      tpu.yield
    }) : () -> ()
    %dma_start3A_425 = arith.constant 2 : i32
    %dma_start3A_426 = arith.constant 1 : i32
    %dma_start3A_427 = arith.constant 0 : i32
    %dma_start3A_428 = tpu.memref_slice %arg10[%dma_start3A_425, %dma_start3A_426, %dma_start3A_427] : memref<3x4x128xi32, #tpu.memory_space<vmem>> -> memref<1x1x128xi32, #tpu.memory_space<vmem>>
    %dma_start3A_429 = tpu.memref_squeeze %dma_start3A_428 : memref<1x1x128xi32, #tpu.memory_space<vmem>> -> memref<128xi32, #tpu.memory_space<vmem>>
    %dma_start3A_430 = arith.constant 0 : i32
    %dma_start3A_431 = arith.constant 0 : i32
    %dma_start3A_432 = tpu.memref_slice %arg8[%dma_start3A_430, %dma_start3A_431] : memref<100000x32xf32, #tpu.memory_space<hbm>> -> memref<100000x32xf32, #tpu.memory_space<hbm>>
    tpu.enqueue_indirect_dma source(%dma_start3A_432 : memref<100000x32xf32, #tpu.memory_space<hbm>>) target(%arg12 : memref<128x32xf32, #tpu.memory_space<vmem>>) offsets(%dma_start3A_429 : memref<128xi32, #tpu.memory_space<vmem>>) semaphore(%arg14 : memref<!tpu.dma_semaphore, #tpu.memory_space<semaphore_mem>>)
    %dma_wait3A_433 = arith.constant 2 : i32
    %dma_wait3A_434 = arith.constant 0 : i32
    %dma_wait3A_435 = arith.constant 0 : i32
    %dma_wait3A_436 = tpu.memref_slice %arg10[%dma_wait3A_433, %dma_wait3A_434, %dma_wait3A_435] : memref<3x4x128xi32, #tpu.memory_space<vmem>> -> memref<1x1x128xi32, #tpu.memory_space<vmem>>
    %dma_wait3A_437 = tpu.memref_squeeze %dma_wait3A_436 : memref<1x1x128xi32, #tpu.memory_space<vmem>> -> memref<128xi32, #tpu.memory_space<vmem>>
    %dma_wait3A_438 = arith.constant 0 : i32
    %dma_wait3A_439 = arith.constant 0 : i32
    %dma_wait3A_440 = tpu.memref_slice %arg8[%dma_wait3A_438, %dma_wait3A_439] : memref<100000x32xf32, #tpu.memory_space<hbm>> -> memref<100000x32xf32, #tpu.memory_space<hbm>>
    tpu.wait_indirect_dma semaphore(%arg13 : memref<!tpu.dma_semaphore, #tpu.memory_space<semaphore_mem>>) src(%dma_wait3A_440 : memref<100000x32xf32, #tpu.memory_space<hbm>>) dst(%arg11 : memref<128x32xf32, #tpu.memory_space<vmem>>)
    "tpu.region"() ({
      %run_scoped3A = tpu.sem_alloc : memref<!tpu.dma_semaphore, #tpu.memory_space<semaphore_mem>>
      %dma_start3A_481 = arith.constant 0 : i32
      %dma_start3A_482 = tpu.memref_slice %arg9[%add3A_86, %dma_start3A_481] : memref<98304x32xf32, #tpu.memory_space<hbm>> -> memref<128x32xf32, #tpu.memory_space<hbm>>
      %dma_start3A_483 = arith.constant 0 : i32
      %dma_start3A_484 = tpu.memref_slice %arg9[%add3A_86, %dma_start3A_483] : memref<98304x32xf32, #tpu.memory_space<hbm>> -> memref<128x32xf32, #tpu.memory_space<hbm>>
      tpu.enqueue_dma source(%arg11 : memref<128x32xf32, #tpu.memory_space<vmem>>) target(%dma_start3A_484 : memref<128x32xf32, #tpu.memory_space<hbm>>) target_semaphore(%run_scoped3A : memref<!tpu.dma_semaphore, #tpu.memory_space<semaphore_mem>>)
      %dma_wait3A_485 = arith.constant 0 : i32
      %dma_wait3A_486 = tpu.memref_slice %arg9[%add3A_86, %dma_wait3A_485] : memref<98304x32xf32, #tpu.memory_space<hbm>> -> memref<128x32xf32, #tpu.memory_space<hbm>>
      %dma_wait3A_487 = arith.constant 0 : i32
      %dma_wait3A_488 = tpu.memref_slice %arg9[%add3A_86, %dma_wait3A_487] : memref<98304x32xf32, #tpu.memory_space<hbm>> -> memref<128x32xf32, #tpu.memory_space<hbm>>
      tpu.wait_dma2 semaphore(%run_scoped3A : memref<!tpu.dma_semaphore, #tpu.memory_space<semaphore_mem>>) src(%arg11 : memref<128x32xf32, #tpu.memory_space<vmem>>) dst(%dma_wait3A_488 : memref<128x32xf32, #tpu.memory_space<hbm>>)
      tpu.yield
    }) : () -> ()
    %dma_start3A_441 = arith.constant 2 : i32
    %dma_start3A_442 = arith.constant 2 : i32
    %dma_start3A_443 = arith.constant 0 : i32
    %dma_start3A_444 = tpu.memref_slice %arg10[%dma_start3A_441, %dma_start3A_442, %dma_start3A_443] : memref<3x4x128xi32, #tpu.memory_space<vmem>> -> memref<1x1x128xi32, #tpu.memory_space<vmem>>
    %dma_start3A_445 = tpu.memref_squeeze %dma_start3A_444 : memref<1x1x128xi32, #tpu.memory_space<vmem>> -> memref<128xi32, #tpu.memory_space<vmem>>
    %dma_start3A_446 = arith.constant 0 : i32
    %dma_start3A_447 = arith.constant 0 : i32
    %dma_start3A_448 = tpu.memref_slice %arg8[%dma_start3A_446, %dma_start3A_447] : memref<100000x32xf32, #tpu.memory_space<hbm>> -> memref<100000x32xf32, #tpu.memory_space<hbm>>
    tpu.enqueue_indirect_dma source(%dma_start3A_448 : memref<100000x32xf32, #tpu.memory_space<hbm>>) target(%arg11 : memref<128x32xf32, #tpu.memory_space<vmem>>) offsets(%dma_start3A_445 : memref<128xi32, #tpu.memory_space<vmem>>) semaphore(%arg13 : memref<!tpu.dma_semaphore, #tpu.memory_space<semaphore_mem>>)
    %dma_wait3A_449 = arith.constant 2 : i32
    %dma_wait3A_450 = arith.constant 1 : i32
    %dma_wait3A_451 = arith.constant 0 : i32
    %dma_wait3A_452 = tpu.memref_slice %arg10[%dma_wait3A_449, %dma_wait3A_450, %dma_wait3A_451] : memref<3x4x128xi32, #tpu.memory_space<vmem>> -> memref<1x1x128xi32, #tpu.memory_space<vmem>>
    %dma_wait3A_453 = tpu.memref_squeeze %dma_wait3A_452 : memref<1x1x128xi32, #tpu.memory_space<vmem>> -> memref<128xi32, #tpu.memory_space<vmem>>
    %dma_wait3A_454 = arith.constant 0 : i32
    %dma_wait3A_455 = arith.constant 0 : i32
    %dma_wait3A_456 = tpu.memref_slice %arg8[%dma_wait3A_454, %dma_wait3A_455] : memref<100000x32xf32, #tpu.memory_space<hbm>> -> memref<100000x32xf32, #tpu.memory_space<hbm>>
    tpu.wait_indirect_dma semaphore(%arg14 : memref<!tpu.dma_semaphore, #tpu.memory_space<semaphore_mem>>) src(%dma_wait3A_456 : memref<100000x32xf32, #tpu.memory_space<hbm>>) dst(%arg12 : memref<128x32xf32, #tpu.memory_space<vmem>>)
    "tpu.region"() ({
      %run_scoped3A = tpu.sem_alloc : memref<!tpu.dma_semaphore, #tpu.memory_space<semaphore_mem>>
      %dma_start3A_481 = arith.constant 0 : i32
      %dma_start3A_482 = tpu.memref_slice %arg9[%add3A_90, %dma_start3A_481] : memref<98304x32xf32, #tpu.memory_space<hbm>> -> memref<128x32xf32, #tpu.memory_space<hbm>>
      %dma_start3A_483 = arith.constant 0 : i32
      %dma_start3A_484 = tpu.memref_slice %arg9[%add3A_90, %dma_start3A_483] : memref<98304x32xf32, #tpu.memory_space<hbm>> -> memref<128x32xf32, #tpu.memory_space<hbm>>
      tpu.enqueue_dma source(%arg12 : memref<128x32xf32, #tpu.memory_space<vmem>>) target(%dma_start3A_484 : memref<128x32xf32, #tpu.memory_space<hbm>>) target_semaphore(%run_scoped3A : memref<!tpu.dma_semaphore, #tpu.memory_space<semaphore_mem>>)
      %dma_wait3A_485 = arith.constant 0 : i32
      %dma_wait3A_486 = tpu.memref_slice %arg9[%add3A_90, %dma_wait3A_485] : memref<98304x32xf32, #tpu.memory_space<hbm>> -> memref<128x32xf32, #tpu.memory_space<hbm>>
      %dma_wait3A_487 = arith.constant 0 : i32
      %dma_wait3A_488 = tpu.memref_slice %arg9[%add3A_90, %dma_wait3A_487] : memref<98304x32xf32, #tpu.memory_space<hbm>> -> memref<128x32xf32, #tpu.memory_space<hbm>>
      tpu.wait_dma2 semaphore(%run_scoped3A : memref<!tpu.dma_semaphore, #tpu.memory_space<semaphore_mem>>) src(%arg12 : memref<128x32xf32, #tpu.memory_space<vmem>>) dst(%dma_wait3A_488 : memref<128x32xf32, #tpu.memory_space<hbm>>)
      tpu.yield
    }) : () -> ()
    %dma_start3A_457 = arith.constant 2 : i32
    %dma_start3A_458 = arith.constant 3 : i32
    %dma_start3A_459 = arith.constant 0 : i32
    %dma_start3A_460 = tpu.memref_slice %arg10[%dma_start3A_457, %dma_start3A_458, %dma_start3A_459] : memref<3x4x128xi32, #tpu.memory_space<vmem>> -> memref<1x1x128xi32, #tpu.memory_space<vmem>>
    %dma_start3A_461 = tpu.memref_squeeze %dma_start3A_460 : memref<1x1x128xi32, #tpu.memory_space<vmem>> -> memref<128xi32, #tpu.memory_space<vmem>>
    %dma_start3A_462 = arith.constant 0 : i32
    %dma_start3A_463 = arith.constant 0 : i32
    %dma_start3A_464 = tpu.memref_slice %arg8[%dma_start3A_462, %dma_start3A_463] : memref<100000x32xf32, #tpu.memory_space<hbm>> -> memref<100000x32xf32, #tpu.memory_space<hbm>>
    tpu.enqueue_indirect_dma source(%dma_start3A_464 : memref<100000x32xf32, #tpu.memory_space<hbm>>) target(%arg12 : memref<128x32xf32, #tpu.memory_space<vmem>>) offsets(%dma_start3A_461 : memref<128xi32, #tpu.memory_space<vmem>>) semaphore(%arg14 : memref<!tpu.dma_semaphore, #tpu.memory_space<semaphore_mem>>)
    %dma_wait3A_465 = arith.constant 2 : i32
    %dma_wait3A_466 = arith.constant 2 : i32
    %dma_wait3A_467 = arith.constant 0 : i32
    %dma_wait3A_468 = tpu.memref_slice %arg10[%dma_wait3A_465, %dma_wait3A_466, %dma_wait3A_467] : memref<3x4x128xi32, #tpu.memory_space<vmem>> -> memref<1x1x128xi32, #tpu.memory_space<vmem>>
    %dma_wait3A_469 = tpu.memref_squeeze %dma_wait3A_468 : memref<1x1x128xi32, #tpu.memory_space<vmem>> -> memref<128xi32, #tpu.memory_space<vmem>>
    %dma_wait3A_470 = arith.constant 0 : i32
    %dma_wait3A_471 = arith.constant 0 : i32
    %dma_wait3A_472 = tpu.memref_slice %arg8[%dma_wait3A_470, %dma_wait3A_471] : memref<100000x32xf32, #tpu.memory_space<hbm>> -> memref<100000x32xf32, #tpu.memory_space<hbm>>
    tpu.wait_indirect_dma semaphore(%arg13 : memref<!tpu.dma_semaphore, #tpu.memory_space<semaphore_mem>>) src(%dma_wait3A_472 : memref<100000x32xf32, #tpu.memory_space<hbm>>) dst(%arg11 : memref<128x32xf32, #tpu.memory_space<vmem>>)
    "tpu.region"() ({
      %run_scoped3A = tpu.sem_alloc : memref<!tpu.dma_semaphore, #tpu.memory_space<semaphore_mem>>
      %dma_start3A_481 = arith.constant 0 : i32
      %dma_start3A_482 = tpu.memref_slice %arg9[%add3A_94, %dma_start3A_481] : memref<98304x32xf32, #tpu.memory_space<hbm>> -> memref<128x32xf32, #tpu.memory_space<hbm>>
      %dma_start3A_483 = arith.constant 0 : i32
      %dma_start3A_484 = tpu.memref_slice %arg9[%add3A_94, %dma_start3A_483] : memref<98304x32xf32, #tpu.memory_space<hbm>> -> memref<128x32xf32, #tpu.memory_space<hbm>>
      tpu.enqueue_dma source(%arg11 : memref<128x32xf32, #tpu.memory_space<vmem>>) target(%dma_start3A_484 : memref<128x32xf32, #tpu.memory_space<hbm>>) target_semaphore(%run_scoped3A : memref<!tpu.dma_semaphore, #tpu.memory_space<semaphore_mem>>)
      %dma_wait3A_485 = arith.constant 0 : i32
      %dma_wait3A_486 = tpu.memref_slice %arg9[%add3A_94, %dma_wait3A_485] : memref<98304x32xf32, #tpu.memory_space<hbm>> -> memref<128x32xf32, #tpu.memory_space<hbm>>
      %dma_wait3A_487 = arith.constant 0 : i32
      %dma_wait3A_488 = tpu.memref_slice %arg9[%add3A_94, %dma_wait3A_487] : memref<98304x32xf32, #tpu.memory_space<hbm>> -> memref<128x32xf32, #tpu.memory_space<hbm>>
      tpu.wait_dma2 semaphore(%run_scoped3A : memref<!tpu.dma_semaphore, #tpu.memory_space<semaphore_mem>>) src(%arg11 : memref<128x32xf32, #tpu.memory_space<vmem>>) dst(%dma_wait3A_488 : memref<128x32xf32, #tpu.memory_space<hbm>>)
      tpu.yield
    }) : () -> ()
    %dma_wait3A_473 = arith.constant 2 : i32
    %dma_wait3A_474 = arith.constant 3 : i32
    %dma_wait3A_475 = arith.constant 0 : i32
    %dma_wait3A_476 = tpu.memref_slice %arg10[%dma_wait3A_473, %dma_wait3A_474, %dma_wait3A_475] : memref<3x4x128xi32, #tpu.memory_space<vmem>> -> memref<1x1x128xi32, #tpu.memory_space<vmem>>
    %dma_wait3A_477 = tpu.memref_squeeze %dma_wait3A_476 : memref<1x1x128xi32, #tpu.memory_space<vmem>> -> memref<128xi32, #tpu.memory_space<vmem>>
    %dma_wait3A_478 = arith.constant 0 : i32
    %dma_wait3A_479 = arith.constant 0 : i32
    %dma_wait3A_480 = tpu.memref_slice %arg8[%dma_wait3A_478, %dma_wait3A_479] : memref<100000x32xf32, #tpu.memory_space<hbm>> -> memref<100000x32xf32, #tpu.memory_space<hbm>>
    tpu.wait_indirect_dma semaphore(%arg14 : memref<!tpu.dma_semaphore, #tpu.memory_space<semaphore_mem>>) src(%dma_wait3A_480 : memref<100000x32xf32, #tpu.memory_space<hbm>>) dst(%arg12 : memref<128x32xf32, #tpu.memory_space<vmem>>)
    "tpu.region"() ({
      %run_scoped3A = tpu.sem_alloc : memref<!tpu.dma_semaphore, #tpu.memory_space<semaphore_mem>>
      %dma_start3A_481 = arith.constant 0 : i32
      %dma_start3A_482 = tpu.memref_slice %arg9[%add3A_98, %dma_start3A_481] : memref<98304x32xf32, #tpu.memory_space<hbm>> -> memref<128x32xf32, #tpu.memory_space<hbm>>
      %dma_start3A_483 = arith.constant 0 : i32
      %dma_start3A_484 = tpu.memref_slice %arg9[%add3A_98, %dma_start3A_483] : memref<98304x32xf32, #tpu.memory_space<hbm>> -> memref<128x32xf32, #tpu.memory_space<hbm>>
      tpu.enqueue_dma source(%arg12 : memref<128x32xf32, #tpu.memory_space<vmem>>) target(%dma_start3A_484 : memref<128x32xf32, #tpu.memory_space<hbm>>) target_semaphore(%run_scoped3A : memref<!tpu.dma_semaphore, #tpu.memory_space<semaphore_mem>>)
      %dma_wait3A_485 = arith.constant 0 : i32
      %dma_wait3A_486 = tpu.memref_slice %arg9[%add3A_98, %dma_wait3A_485] : memref<98304x32xf32, #tpu.memory_space<hbm>> -> memref<128x32xf32, #tpu.memory_space<hbm>>
      %dma_wait3A_487 = arith.constant 0 : i32
      %dma_wait3A_488 = tpu.memref_slice %arg9[%add3A_98, %dma_wait3A_487] : memref<98304x32xf32, #tpu.memory_space<hbm>> -> memref<128x32xf32, #tpu.memory_space<hbm>>
      tpu.wait_dma2 semaphore(%run_scoped3A : memref<!tpu.dma_semaphore, #tpu.memory_space<semaphore_mem>>) src(%arg12 : memref<128x32xf32, #tpu.memory_space<vmem>>) dst(%dma_wait3A_488 : memref<128x32xf32, #tpu.memory_space<hbm>>)
      tpu.yield
    }) : () -> ()
    return
  }
}

module attributes {stable_mosaic.version = 14 : i64} {
  func.func @_tc_body(%arg0: i32, %arg1: memref<6x1024x32xf32, #tpu.memory_space<vmem>>, %arg2: memref<3x8x128x1024xf32, #tpu.memory_space<vmem>>, %arg3: memref<1x1024xf32, #tpu.memory_space<vmem>>, %arg4: memref<1x1xf32, #tpu.memory_space<vmem>>) attributes {dimension_semantics = [#tpu.dimension_semantics<arbitrary>], iteration_bounds = array<i64: 16>, scalar_prefetch = 0 : i64, scratch_operands = 0 : i64, tpu.core_type = #tpu.core_type<tc>, window_params = [{transform_indices = @transform_0, window_bounds = array<i64: 6, 1024, 32>}, {transform_indices = @transform_1, window_bounds = array<i64: 3, 8, 128, 1024>}, {transform_indices = @transform_2, window_bounds = array<i64: 1, 1024>}, {pipeline_mode = #tpu.pipeline_mode<synchronous>, transform_indices = @transform_3, window_bounds = array<i64: 1, 1>}]} {
    %get3A = arith.constant 0 : index
    %get3A_0 = arith.constant 0 : index
    %get3A_1 = arith.constant 0 : index
    %get3A_2 = vector.load %arg1[%get3A, %get3A_0, %get3A_1] : memref<6x1024x32xf32, #tpu.memory_space<vmem>>, vector<1x1024x32xf32>
    %get3A_3 = vector.shape_cast %get3A_2 : vector<1x1024x32xf32> to vector<1024x32xf32>
    %get3A_4 = arith.constant 3 : index
    %get3A_5 = arith.constant 0 : index
    %get3A_6 = arith.constant 0 : index
    %get3A_7 = vector.load %arg1[%get3A_4, %get3A_5, %get3A_6] : memref<6x1024x32xf32, #tpu.memory_space<vmem>>, vector<1x1024x32xf32>
    %get3A_8 = vector.shape_cast %get3A_7 : vector<1x1024x32xf32> to vector<1024x32xf32>
    %mul3A = arith.mulf %get3A_8, %get3A_8 : vector<1024x32xf32>
    %transpose3A = tpu.transpose %get3A_3, [1, 0] : vector<1024x32xf32> -> vector<32x1024xf32>
    %transpose3A_9 = tpu.transpose %mul3A, [1, 0] : vector<1024x32xf32> -> vector<32x1024xf32>
    %concatenate3A = tpu.concatenate %transpose3A, %transpose3A, %transpose3A, %transpose3A in 0 : vector<32x1024xf32>, vector<32x1024xf32>, vector<32x1024xf32>, vector<32x1024xf32> -> vector<128x1024xf32>
    %concatenate3A_10 = tpu.concatenate %transpose3A_9, %transpose3A_9, %transpose3A_9, %transpose3A_9 in 0 : vector<32x1024xf32>, vector<32x1024xf32>, vector<32x1024xf32>, vector<32x1024xf32> -> vector<128x1024xf32>
    %get3A_11 = arith.constant 0 : index
    %get3A_12 = arith.constant 0 : index
    %get3A_13 = arith.constant 0 : index
    %get3A_14 = arith.constant 0 : index
    %get3A_15 = vector.load %arg2[%get3A_11, %get3A_12, %get3A_13, %get3A_14] : memref<3x8x128x1024xf32, #tpu.memory_space<vmem>>, vector<1x8x128x1024xf32>
    %get3A_16 = vector.shape_cast %get3A_15 : vector<1x8x128x1024xf32> to vector<8x128x1024xf32>
    %broadcast_in_dim3A = vector.shape_cast %concatenate3A : vector<128x1024xf32> to vector<1x128x1024xf32>
    %broadcast_in_dim3A_17 = vector.shape_cast %concatenate3A_10 : vector<128x1024xf32> to vector<1x128x1024xf32>
    %mul3A_18 = vector.broadcast %broadcast_in_dim3A_17 : vector<1x128x1024xf32> to vector<8x128x1024xf32>
    %mul3A_19 = arith.mulf %get3A_16, %mul3A_18 : vector<8x128x1024xf32>
    %add3A = vector.broadcast %broadcast_in_dim3A : vector<1x128x1024xf32> to vector<8x128x1024xf32>
    %add3A_20 = arith.addf %add3A, %mul3A_19 : vector<8x128x1024xf32>
    %mul3A_21 = arith.mulf %mul3A, %mul3A : vector<1024x32xf32>
    %log3A = math.log %mul3A_21 : vector<1024x32xf32>
    %add3A_22 = arith.constant 1.000000e+00 : f32
    %add3A_23 = vector.broadcast %add3A_22 : f32 to vector<1024x32xf32>
    %add3A_24 = arith.addf %add3A_23, %log3A : vector<1024x32xf32>
    %mul3A_25 = arith.mulf %get3A_3, %get3A_3 : vector<1024x32xf32>
    %sub3A = arith.subf %add3A_24, %mul3A_25 : vector<1024x32xf32>
    %sub3A_26 = arith.subf %sub3A, %mul3A_21 : vector<1024x32xf32>
    %reduce_sum3A = vector.shape_cast %sub3A_26 : vector<1024x32xf32> to vector<1x1024x32xf32>
    %reduce_sum3A_27 = arith.constant dense<0.000000e+00> : vector<1xf32>
    %reduce_sum3A_28 = vector.multi_reduction <add>, %reduce_sum3A, %reduce_sum3A_27 [1, 2] : vector<1x1024x32xf32> to vector<1xf32>
    %reduce_sum3A_29 = vector.shape_cast %reduce_sum3A_28 : vector<1xf32> to vector<1x1x1xf32>
    %reduce_sum3A_30 = vector.extract %reduce_sum3A_29[0, 0, 0] : f32 from vector<1x1x1xf32>
    %add3A_31 = arith.constant 0.000000e+00 : f32
    %add3A_32 = arith.addf %add3A_31, %reduce_sum3A_30 : f32
    %get3A_33 = arith.constant 1 : index
    %get3A_34 = arith.constant 0 : index
    %get3A_35 = arith.constant 0 : index
    %get3A_36 = vector.load %arg1[%get3A_33, %get3A_34, %get3A_35] : memref<6x1024x32xf32, #tpu.memory_space<vmem>>, vector<1x1024x32xf32>
    %get3A_37 = vector.shape_cast %get3A_36 : vector<1x1024x32xf32> to vector<1024x32xf32>
    %get3A_38 = arith.constant 4 : index
    %get3A_39 = arith.constant 0 : index
    %get3A_40 = arith.constant 0 : index
    %get3A_41 = vector.load %arg1[%get3A_38, %get3A_39, %get3A_40] : memref<6x1024x32xf32, #tpu.memory_space<vmem>>, vector<1x1024x32xf32>
    %get3A_42 = vector.shape_cast %get3A_41 : vector<1x1024x32xf32> to vector<1024x32xf32>
    %mul3A_43 = arith.mulf %get3A_42, %get3A_42 : vector<1024x32xf32>
    %transpose3A_44 = tpu.transpose %get3A_37, [1, 0] : vector<1024x32xf32> -> vector<32x1024xf32>
    %transpose3A_45 = tpu.transpose %mul3A_43, [1, 0] : vector<1024x32xf32> -> vector<32x1024xf32>
    %concatenate3A_46 = tpu.concatenate %transpose3A_44, %transpose3A_44, %transpose3A_44, %transpose3A_44 in 0 : vector<32x1024xf32>, vector<32x1024xf32>, vector<32x1024xf32>, vector<32x1024xf32> -> vector<128x1024xf32>
    %concatenate3A_47 = tpu.concatenate %transpose3A_45, %transpose3A_45, %transpose3A_45, %transpose3A_45 in 0 : vector<32x1024xf32>, vector<32x1024xf32>, vector<32x1024xf32>, vector<32x1024xf32> -> vector<128x1024xf32>
    %get3A_48 = arith.constant 1 : index
    %get3A_49 = arith.constant 0 : index
    %get3A_50 = arith.constant 0 : index
    %get3A_51 = arith.constant 0 : index
    %get3A_52 = vector.load %arg2[%get3A_48, %get3A_49, %get3A_50, %get3A_51] : memref<3x8x128x1024xf32, #tpu.memory_space<vmem>>, vector<1x8x128x1024xf32>
    %get3A_53 = vector.shape_cast %get3A_52 : vector<1x8x128x1024xf32> to vector<8x128x1024xf32>
    %broadcast_in_dim3A_54 = vector.shape_cast %concatenate3A_46 : vector<128x1024xf32> to vector<1x128x1024xf32>
    %broadcast_in_dim3A_55 = vector.shape_cast %concatenate3A_47 : vector<128x1024xf32> to vector<1x128x1024xf32>
    %mul3A_56 = vector.broadcast %broadcast_in_dim3A_55 : vector<1x128x1024xf32> to vector<8x128x1024xf32>
    %mul3A_57 = arith.mulf %get3A_53, %mul3A_56 : vector<8x128x1024xf32>
    %add3A_58 = vector.broadcast %broadcast_in_dim3A_54 : vector<1x128x1024xf32> to vector<8x128x1024xf32>
    %add3A_59 = arith.addf %add3A_58, %mul3A_57 : vector<8x128x1024xf32>
    %mul3A_60 = arith.mulf %add3A_20, %add3A_59 : vector<8x128x1024xf32>
    %mul3A_61 = arith.mulf %mul3A_43, %mul3A_43 : vector<1024x32xf32>
    %log3A_62 = math.log %mul3A_61 : vector<1024x32xf32>
    %add3A_63 = arith.constant 1.000000e+00 : f32
    %add3A_64 = vector.broadcast %add3A_63 : f32 to vector<1024x32xf32>
    %add3A_65 = arith.addf %add3A_64, %log3A_62 : vector<1024x32xf32>
    %mul3A_66 = arith.mulf %get3A_37, %get3A_37 : vector<1024x32xf32>
    %sub3A_67 = arith.subf %add3A_65, %mul3A_66 : vector<1024x32xf32>
    %sub3A_68 = arith.subf %sub3A_67, %mul3A_61 : vector<1024x32xf32>
    %reduce_sum3A_69 = vector.shape_cast %sub3A_68 : vector<1024x32xf32> to vector<1x1024x32xf32>
    %reduce_sum3A_70 = arith.constant dense<0.000000e+00> : vector<1xf32>
    %reduce_sum3A_71 = vector.multi_reduction <add>, %reduce_sum3A_69, %reduce_sum3A_70 [1, 2] : vector<1x1024x32xf32> to vector<1xf32>
    %reduce_sum3A_72 = vector.shape_cast %reduce_sum3A_71 : vector<1xf32> to vector<1x1x1xf32>
    %reduce_sum3A_73 = vector.extract %reduce_sum3A_72[0, 0, 0] : f32 from vector<1x1x1xf32>
    %add3A_74 = arith.addf %add3A_32, %reduce_sum3A_73 : f32
    %get3A_75 = arith.constant 2 : index
    %get3A_76 = arith.constant 0 : index
    %get3A_77 = arith.constant 0 : index
    %get3A_78 = vector.load %arg1[%get3A_75, %get3A_76, %get3A_77] : memref<6x1024x32xf32, #tpu.memory_space<vmem>>, vector<1x1024x32xf32>
    %get3A_79 = vector.shape_cast %get3A_78 : vector<1x1024x32xf32> to vector<1024x32xf32>
    %get3A_80 = arith.constant 5 : index
    %get3A_81 = arith.constant 0 : index
    %get3A_82 = arith.constant 0 : index
    %get3A_83 = vector.load %arg1[%get3A_80, %get3A_81, %get3A_82] : memref<6x1024x32xf32, #tpu.memory_space<vmem>>, vector<1x1024x32xf32>
    %get3A_84 = vector.shape_cast %get3A_83 : vector<1x1024x32xf32> to vector<1024x32xf32>
    %mul3A_85 = arith.mulf %get3A_84, %get3A_84 : vector<1024x32xf32>
    %transpose3A_86 = tpu.transpose %get3A_79, [1, 0] : vector<1024x32xf32> -> vector<32x1024xf32>
    %transpose3A_87 = tpu.transpose %mul3A_85, [1, 0] : vector<1024x32xf32> -> vector<32x1024xf32>
    %concatenate3A_88 = tpu.concatenate %transpose3A_86, %transpose3A_86, %transpose3A_86, %transpose3A_86 in 0 : vector<32x1024xf32>, vector<32x1024xf32>, vector<32x1024xf32>, vector<32x1024xf32> -> vector<128x1024xf32>
    %concatenate3A_89 = tpu.concatenate %transpose3A_87, %transpose3A_87, %transpose3A_87, %transpose3A_87 in 0 : vector<32x1024xf32>, vector<32x1024xf32>, vector<32x1024xf32>, vector<32x1024xf32> -> vector<128x1024xf32>
    %get3A_90 = arith.constant 2 : index
    %get3A_91 = arith.constant 0 : index
    %get3A_92 = arith.constant 0 : index
    %get3A_93 = arith.constant 0 : index
    %get3A_94 = vector.load %arg2[%get3A_90, %get3A_91, %get3A_92, %get3A_93] : memref<3x8x128x1024xf32, #tpu.memory_space<vmem>>, vector<1x8x128x1024xf32>
    %get3A_95 = vector.shape_cast %get3A_94 : vector<1x8x128x1024xf32> to vector<8x128x1024xf32>
    %broadcast_in_dim3A_96 = vector.shape_cast %concatenate3A_88 : vector<128x1024xf32> to vector<1x128x1024xf32>
    %broadcast_in_dim3A_97 = vector.shape_cast %concatenate3A_89 : vector<128x1024xf32> to vector<1x128x1024xf32>
    %mul3A_98 = vector.broadcast %broadcast_in_dim3A_97 : vector<1x128x1024xf32> to vector<8x128x1024xf32>
    %mul3A_99 = arith.mulf %get3A_95, %mul3A_98 : vector<8x128x1024xf32>
    %add3A_100 = vector.broadcast %broadcast_in_dim3A_96 : vector<1x128x1024xf32> to vector<8x128x1024xf32>
    %add3A_101 = arith.addf %add3A_100, %mul3A_99 : vector<8x128x1024xf32>
    %mul3A_102 = arith.mulf %mul3A_60, %add3A_101 : vector<8x128x1024xf32>
    %mul3A_103 = arith.mulf %mul3A_85, %mul3A_85 : vector<1024x32xf32>
    %log3A_104 = math.log %mul3A_103 : vector<1024x32xf32>
    %add3A_105 = arith.constant 1.000000e+00 : f32
    %add3A_106 = vector.broadcast %add3A_105 : f32 to vector<1024x32xf32>
    %add3A_107 = arith.addf %add3A_106, %log3A_104 : vector<1024x32xf32>
    %mul3A_108 = arith.mulf %get3A_79, %get3A_79 : vector<1024x32xf32>
    %sub3A_109 = arith.subf %add3A_107, %mul3A_108 : vector<1024x32xf32>
    %sub3A_110 = arith.subf %sub3A_109, %mul3A_103 : vector<1024x32xf32>
    %reduce_sum3A_111 = vector.shape_cast %sub3A_110 : vector<1024x32xf32> to vector<1x1024x32xf32>
    %reduce_sum3A_112 = arith.constant dense<0.000000e+00> : vector<1xf32>
    %reduce_sum3A_113 = vector.multi_reduction <add>, %reduce_sum3A_111, %reduce_sum3A_112 [1, 2] : vector<1x1024x32xf32> to vector<1xf32>
    %reduce_sum3A_114 = vector.shape_cast %reduce_sum3A_113 : vector<1xf32> to vector<1x1x1xf32>
    %reduce_sum3A_115 = vector.extract %reduce_sum3A_114[0, 0, 0] : f32 from vector<1x1x1xf32>
    %add3A_116 = arith.addf %add3A_74, %reduce_sum3A_115 : f32
    %iota3A = tpu.iota {dimensions = array<i32: 0>} : vector<4x128xi32>
    %iota3A_117 = tpu.iota {dimensions = array<i32: 1>} : vector<4x128xi32>
    %jit3A = arith.constant 32 : i32
    %div3A = vector.broadcast %jit3A : i32 to vector<4x128xi32>
    %div3A_118 = arith.divsi %iota3A_117, %div3A : vector<4x128xi32>
    %sign3A = arith.constant 0 : i32
    %sign3A_119 = vector.broadcast %sign3A : i32 to vector<4x128xi32>
    %sign3A_120 = arith.cmpi sgt, %iota3A_117, %sign3A_119 : vector<4x128xi32>
    %sign3A_121 = arith.extui %sign3A_120 : vector<4x128xi1> to vector<4x128xi32>
    %sign3A_122 = arith.constant 0 : i32
    %sign3A_123 = vector.broadcast %sign3A_122 : i32 to vector<4x128xi32>
    %sign3A_124 = arith.cmpi slt, %iota3A_117, %sign3A_123 : vector<4x128xi32>
    %sign3A_125 = arith.extui %sign3A_124 : vector<4x128xi1> to vector<4x128xi32>
    %sign3A_126 = arith.subi %sign3A_121, %sign3A_125 : vector<4x128xi32>
    %sign3A_127 = arith.constant 0 : i32
    %sign3A_128 = arith.cmpi sgt, %jit3A, %sign3A_127 : i32
    %sign3A_129 = arith.extui %sign3A_128 : i1 to i32
    %sign3A_130 = arith.constant 0 : i32
    %sign3A_131 = arith.cmpi slt, %jit3A, %sign3A_130 : i32
    %sign3A_132 = arith.extui %sign3A_131 : i1 to i32
    %sign3A_133 = arith.subi %sign3A_129, %sign3A_132 : i32
    %ne3A = vector.broadcast %sign3A_133 : i32 to vector<4x128xi32>
    %ne3A_134 = arith.cmpi ne, %sign3A_126, %ne3A : vector<4x128xi32>
    %rem3A = vector.broadcast %jit3A : i32 to vector<4x128xi32>
    %rem3A_135 = arith.remsi %iota3A_117, %rem3A : vector<4x128xi32>
    %ne3A_136 = arith.constant 0 : i32
    %ne3A_137 = vector.broadcast %ne3A_136 : i32 to vector<4x128xi32>
    %ne3A_138 = arith.cmpi ne, %rem3A_135, %ne3A_137 : vector<4x128xi32>
    %and3A = arith.andi %ne3A_134, %ne3A_138 : vector<4x128xi1>
    %sub3A_139 = arith.constant 1 : i32
    %sub3A_140 = vector.broadcast %sub3A_139 : i32 to vector<4x128xi32>
    %sub3A_141 = arith.subi %div3A_118, %sub3A_140 : vector<4x128xi32>
    %select_n3A = arith.select %and3A, %sub3A_141, %div3A_118 : vector<4x128xi1>, vector<4x128xi32>
    %eq3A = arith.cmpi eq, %iota3A, %select_n3A : vector<4x128xi32>
    %convert_element_type3A = arith.extui %eq3A : vector<4x128xi1> to vector<4x128xi32>
    %convert_element_type3A_142 = arith.sitofp %convert_element_type3A : vector<4x128xi32> to vector<4x128xf32>
    %convert_element_type3A_143 = arith.truncf %convert_element_type3A_142 : vector<4x128xf32> to vector<4x128xbf16>
    %convert_element_type3A_144 = arith.truncf %mul3A_102 : vector<8x128x1024xf32> to vector<8x128x1024xbf16>
    %slice3A = vector.extract_strided_slice %convert_element_type3A_144 {offsets = [0, 0, 0], sizes = [1, 128, 1024], strides = [1, 1, 1]} : vector<8x128x1024xbf16> to vector<1x128x1024xbf16>
    %squeeze3A = vector.shape_cast %slice3A : vector<1x128x1024xbf16> to vector<128x1024xbf16>
    %dot_general3A = arith.constant dense<0.000000e+00> : vector<4x1024xf32>
    %dot_general3A_145 = tpu.matmul %convert_element_type3A_143, %squeeze3A, %dot_general3A {dimension_numbers = #tpu.dot_dimension_numbers<[1], [0], [0], [1], [0, 0, 1, 1], [], []>, transpose_lhs_hint = false} : vector<4x128xbf16>, vector<128x1024xbf16>, vector<4x1024xf32> -> vector<4x1024xf32>
    %slice3A_146 = vector.extract_strided_slice %convert_element_type3A_144 {offsets = [1, 0, 0], sizes = [1, 128, 1024], strides = [1, 1, 1]} : vector<8x128x1024xbf16> to vector<1x128x1024xbf16>
    %squeeze3A_147 = vector.shape_cast %slice3A_146 : vector<1x128x1024xbf16> to vector<128x1024xbf16>
    %dot_general3A_148 = arith.constant dense<0.000000e+00> : vector<4x1024xf32>
    %dot_general3A_149 = tpu.matmul %convert_element_type3A_143, %squeeze3A_147, %dot_general3A_148 {dimension_numbers = #tpu.dot_dimension_numbers<[1], [0], [0], [1], [0, 0, 1, 1], [], []>, transpose_lhs_hint = false} : vector<4x128xbf16>, vector<128x1024xbf16>, vector<4x1024xf32> -> vector<4x1024xf32>
    %slice3A_150 = vector.extract_strided_slice %convert_element_type3A_144 {offsets = [2, 0, 0], sizes = [1, 128, 1024], strides = [1, 1, 1]} : vector<8x128x1024xbf16> to vector<1x128x1024xbf16>
    %squeeze3A_151 = vector.shape_cast %slice3A_150 : vector<1x128x1024xbf16> to vector<128x1024xbf16>
    %dot_general3A_152 = arith.constant dense<0.000000e+00> : vector<4x1024xf32>
    %dot_general3A_153 = tpu.matmul %convert_element_type3A_143, %squeeze3A_151, %dot_general3A_152 {dimension_numbers = #tpu.dot_dimension_numbers<[1], [0], [0], [1], [0, 0, 1, 1], [], []>, transpose_lhs_hint = false} : vector<4x128xbf16>, vector<128x1024xbf16>, vector<4x1024xf32> -> vector<4x1024xf32>
    %slice3A_154 = vector.extract_strided_slice %convert_element_type3A_144 {offsets = [3, 0, 0], sizes = [1, 128, 1024], strides = [1, 1, 1]} : vector<8x128x1024xbf16> to vector<1x128x1024xbf16>
    %squeeze3A_155 = vector.shape_cast %slice3A_154 : vector<1x128x1024xbf16> to vector<128x1024xbf16>
    %dot_general3A_156 = arith.constant dense<0.000000e+00> : vector<4x1024xf32>
    %dot_general3A_157 = tpu.matmul %convert_element_type3A_143, %squeeze3A_155, %dot_general3A_156 {dimension_numbers = #tpu.dot_dimension_numbers<[1], [0], [0], [1], [0, 0, 1, 1], [], []>, transpose_lhs_hint = false} : vector<4x128xbf16>, vector<128x1024xbf16>, vector<4x1024xf32> -> vector<4x1024xf32>
    %slice3A_158 = vector.extract_strided_slice %convert_element_type3A_144 {offsets = [4, 0, 0], sizes = [1, 128, 1024], strides = [1, 1, 1]} : vector<8x128x1024xbf16> to vector<1x128x1024xbf16>
    %squeeze3A_159 = vector.shape_cast %slice3A_158 : vector<1x128x1024xbf16> to vector<128x1024xbf16>
    %dot_general3A_160 = arith.constant dense<0.000000e+00> : vector<4x1024xf32>
    %dot_general3A_161 = tpu.matmul %convert_element_type3A_143, %squeeze3A_159, %dot_general3A_160 {dimension_numbers = #tpu.dot_dimension_numbers<[1], [0], [0], [1], [0, 0, 1, 1], [], []>, transpose_lhs_hint = false} : vector<4x128xbf16>, vector<128x1024xbf16>, vector<4x1024xf32> -> vector<4x1024xf32>
    %slice3A_162 = vector.extract_strided_slice %convert_element_type3A_144 {offsets = [5, 0, 0], sizes = [1, 128, 1024], strides = [1, 1, 1]} : vector<8x128x1024xbf16> to vector<1x128x1024xbf16>
    %squeeze3A_163 = vector.shape_cast %slice3A_162 : vector<1x128x1024xbf16> to vector<128x1024xbf16>
    %dot_general3A_164 = arith.constant dense<0.000000e+00> : vector<4x1024xf32>
    %dot_general3A_165 = tpu.matmul %convert_element_type3A_143, %squeeze3A_163, %dot_general3A_164 {dimension_numbers = #tpu.dot_dimension_numbers<[1], [0], [0], [1], [0, 0, 1, 1], [], []>, transpose_lhs_hint = false} : vector<4x128xbf16>, vector<128x1024xbf16>, vector<4x1024xf32> -> vector<4x1024xf32>
    %slice3A_166 = vector.extract_strided_slice %convert_element_type3A_144 {offsets = [6, 0, 0], sizes = [1, 128, 1024], strides = [1, 1, 1]} : vector<8x128x1024xbf16> to vector<1x128x1024xbf16>
    %squeeze3A_167 = vector.shape_cast %slice3A_166 : vector<1x128x1024xbf16> to vector<128x1024xbf16>
    %dot_general3A_168 = arith.constant dense<0.000000e+00> : vector<4x1024xf32>
    %dot_general3A_169 = tpu.matmul %convert_element_type3A_143, %squeeze3A_167, %dot_general3A_168 {dimension_numbers = #tpu.dot_dimension_numbers<[1], [0], [0], [1], [0, 0, 1, 1], [], []>, transpose_lhs_hint = false} : vector<4x128xbf16>, vector<128x1024xbf16>, vector<4x1024xf32> -> vector<4x1024xf32>
    %slice3A_170 = vector.extract_strided_slice %convert_element_type3A_144 {offsets = [7, 0, 0], sizes = [1, 128, 1024], strides = [1, 1, 1]} : vector<8x128x1024xbf16> to vector<1x128x1024xbf16>
    %squeeze3A_171 = vector.shape_cast %slice3A_170 : vector<1x128x1024xbf16> to vector<128x1024xbf16>
    %dot_general3A_172 = arith.constant dense<0.000000e+00> : vector<4x1024xf32>
    %dot_general3A_173 = tpu.matmul %convert_element_type3A_143, %squeeze3A_171, %dot_general3A_172 {dimension_numbers = #tpu.dot_dimension_numbers<[1], [0], [0], [1], [0, 0, 1, 1], [], []>, transpose_lhs_hint = false} : vector<4x128xbf16>, vector<128x1024xbf16>, vector<4x1024xf32> -> vector<4x1024xf32>
    %concatenate3A_174 = tpu.concatenate %dot_general3A_145, %dot_general3A_149, %dot_general3A_153, %dot_general3A_157, %dot_general3A_161, %dot_general3A_165, %dot_general3A_169, %dot_general3A_173 in 0 : vector<4x1024xf32>, vector<4x1024xf32>, vector<4x1024xf32>, vector<4x1024xf32>, vector<4x1024xf32>, vector<4x1024xf32>, vector<4x1024xf32>, vector<4x1024xf32> -> vector<32x1024xf32>
    %get3A_175 = arith.constant 0 : index
    %get3A_176 = arith.constant 0 : index
    %get3A_177 = vector.load %arg3[%get3A_175, %get3A_176] : memref<1x1024xf32, #tpu.memory_space<vmem>>, vector<1x1024xf32>
    %sub3A_178 = vector.broadcast %get3A_177 : vector<1x1024xf32> to vector<32x1024xf32>
    %sub3A_179 = arith.subf %concatenate3A_174, %sub3A_178 : vector<32x1024xf32>
    %integer_pow3A = arith.mulf %sub3A_179, %sub3A_179 : vector<32x1024xf32>
    %reduce_sum3A_180 = vector.shape_cast %integer_pow3A : vector<32x1024xf32> to vector<1x32x1024xf32>
    %reduce_sum3A_181 = arith.constant dense<0.000000e+00> : vector<1xf32>
    %reduce_sum3A_182 = vector.multi_reduction <add>, %reduce_sum3A_180, %reduce_sum3A_181 [1, 2] : vector<1x32x1024xf32> to vector<1xf32>
    %reduce_sum3A_183 = vector.shape_cast %reduce_sum3A_182 : vector<1xf32> to vector<1x1x1xf32>
    %reduce_sum3A_184 = vector.extract %reduce_sum3A_183[0, 0, 0] : f32 from vector<1x1x1xf32>
    %div3A_185 = arith.constant 3.200000e+01 : f32
    %div3A_186 = arith.divf %reduce_sum3A_184, %div3A_185 : f32
    %mul3A_187 = arith.constant 0.00999999977 : f32
    %mul3A_188 = arith.mulf %mul3A_187, %add3A_116 : f32
    %add3A_189 = arith.addf %div3A_186, %mul3A_188 : f32
    %mul3A_190 = arith.constant 5.000000e-01 : f32
    %mul3A_191 = arith.mulf %mul3A_190, %add3A_189 : f32
    %eq3A_192 = arith.constant 0 : i32
    %eq3A_193 = arith.cmpi eq, %arg0, %eq3A_192 : i32
    %convert_element_type3A_194 = arith.extui %eq3A_193 : i1 to i32
    %cond3A = arith.constant 0 : i32
    %cond3A_195 = arith.cmpi ne, %convert_element_type3A_194, %cond3A : i32
    scf.if %cond3A_195 {
      %broadcast_in_dim3A_203 = arith.constant 0.000000e+00 : f32
      %broadcast_in_dim3A_204 = vector.broadcast %broadcast_in_dim3A_203 : f32 to vector<1x1xf32>
      %swap3A_205 = arith.constant 0 : index
      %swap3A_206 = arith.constant 0 : index
      %swap3A_207 = vector.load %arg4[%swap3A_205, %swap3A_206] : memref<1x1xf32, #tpu.memory_space<vmem>>, vector<1x1xf32>
      tpu.vector_store %arg4[%swap3A_205, %swap3A_206], %broadcast_in_dim3A_204 {strides = array<i32>} : memref<1x1xf32, #tpu.memory_space<vmem>>, vector<1x1xf32>,
    } else {
    }
    %get3A_196 = arith.constant 0 : index
    %get3A_197 = arith.constant 0 : index
    %get3A_198 = vector.load %arg4[%get3A_196, %get3A_197] : memref<1x1xf32, #tpu.memory_space<vmem>>, vector<1x1xf32>
    %broadcast_in_dim3A_199 = vector.broadcast %mul3A_191 : f32 to vector<1x1xf32>
    %add3A_200 = arith.addf %get3A_198, %broadcast_in_dim3A_199 : vector<1x1xf32>
    %swap3A = arith.constant 0 : index
    %swap3A_201 = arith.constant 0 : index
    %swap3A_202 = vector.load %arg4[%swap3A, %swap3A_201] : memref<1x1xf32, #tpu.memory_space<vmem>>, vector<1x1xf32>
    tpu.vector_store %arg4[%swap3A, %swap3A_201], %add3A_200 {strides = array<i32>} : memref<1x1xf32, #tpu.memory_space<vmem>>, vector<1x1xf32>,
    return
  }
  func.func @transform_0(%arg0: i32) -> (i32, i32, i32) {
    %c0_i32 = arith.constant 0 : i32
    %c0_i32_0 = arith.constant 0 : i32
    %c0_i32_1 = arith.constant 0 : i32
    return %c0_i32, %arg0, %c0_i32_0 : i32, i32, i32
  }
  func.func @transform_1(%arg0: i32) -> (i32, i32, i32, i32) {
    %c0_i32 = arith.constant 0 : i32
    %c0_i32_0 = arith.constant 0 : i32
    %c0_i32_1 = arith.constant 0 : i32
    %c0_i32_2 = arith.constant 0 : i32
    return %c0_i32, %c0_i32_0, %c0_i32_1, %arg0 : i32, i32, i32, i32
  }
  func.func @transform_2(%arg0: i32) -> (i32, i32) {
    %c0_i32 = arith.constant 0 : i32
    %c0_i32_0 = arith.constant 0 : i32
    return %c0_i32, %arg0 : i32, i32
  }
  func.func @transform_3(%arg0: i32) -> (i32, i32) {
    %c0_i32 = arith.constant 0 : i32
    %c0_i32_0 = arith.constant 0 : i32
    %c0_i32_1 = arith.constant 0 : i32
    return %c0_i32, %c0_i32_0 : i32, i32
  }
}

</mosaic_0001>

<sc_bundles>
// kernel: kernel.4.cloned.1.call-start
scs
__scs_entry_jumppad:
0x0: {  	(pc) =	sbr.rel $0x88, $3  }
0x1: {  	(tag) =	ssettag $0x0;
	lr =	simm.s32 $0x1  }
0x2: {  	[smem:$0x3F98] =	sst lr;
	_ =	strace $0xD0000000  }
0x3: {  	_ = 	snop  }
0x4: {  	_ = 	snop  }
0x5: {  	_ = 	snop  }
0x6: {  	_ = 	snop  }
0x7: {  	_ = 	snop  }
__scs_overlays_trampoline_lowered:
0x8: {  	[smem:$0x3FA7] =	sst s0  }
0x9: {  	[smem:$0x3FA8] =	sst s1  }
0xa: {  	[smem:$0x3FA9] =	sst s2  }
0xb: {  	[smem:$0x3FAA] =	sst s3  }
0xc: {  	[smem:$0x3FAB] =	sst s4  }
0xd: {  	[smem:$0x3FAC] =	sst s5  }
0xe: {  	[smem:$0x3FAD] =	sst s6  }
0xf: {  	[smem:$0x3FAE] =	sst s7  }
0x10: {  	[smem:$0x3FAF] =	sst s8  }
0x11: {  	[smem:$0x3FB0] =	sst s9;
	s0 =	simm.s32 @!p0 $0x0  }
0x12: {  	s1 =	sld [smem:$0x3F96];
	s0 =	simm.s32 @p0 $0x1  }
0x13: {  	[smem:$0x3FB1] =	sst s0;
	s0 =	simm.s32 @!p1 $0x0  }
0x14: {  	s2 =	sld [smem:$0x3F95];
	s0 =	simm.s32 @p1 $0x1  }
0x15: {  	[smem:$0x3FB2] =	sst s0;
	s0 =	simm.s32 @!p2 $0x0  }
0x16: {  	s3 =	sld [smem:$0x3FDB];
	s0 =	simm.s32 @p2 $0x1  }
0x17: {  	s4 =	simm.s32 $0x1BF5;
	[smem:$0x3FB4] =	sst s0  }
0x18: {  	s0 =	sld [smem:$0x3F97];
	_ =	swait.ge [sflag:s4], $0x0  }
0x19: {  	s7 =	sld [smem:$0x3F98]  }
0x1a: {  	s8 =	sadd.s32 $0xFFFFE003, lr  }
0x1b: {  	s9 =	sadd.s32 $0xFFFFFEF7, lr;
	s5 =	simm.s32 $0xFFFFFFFF;
	p2 =	slt.u32 s8, $0xFFFFF086  }
0x1c: {  	p1 =	slt.u32 s9, $0xF7A;
	s5 =	simm.s32 @!p2 $0x0  }
0x1d: {  	s5 =	simm.s32 @p1 $0x1;
	p0 =	seq.s32 s7, s2  }
0x1e: {  	s7 =	smul.u32 @!p0 $0xF7A, s2;
	p2 =	seq.s32 @!p0 s5, $0x0  }
0x1f: {  	s9 =	smul.u32 $0xF7A, s1;
	s8 =	simm.s32 @!p0 $0x1BF5;
	p2 =	por !p2, p0  }
0x20: {  	[sflag:s8] =	ssyncset.s32 @!p0 $0xFFFFF086;
	s6 =	sadd.s32 @!p0 s3, s7;
	s7 =	simm.s32 @!p0 $0x108  }
0x21: {  	s3 =	sadd.s32 s3, s9;
	s6 =	sadd.s32 @!p0 $0x88, s6;
	s7 =	simm.s32 @p2 $0x1082  }
0x22: {  	[simem:s7], [sflag:s8] =	dma.local @!p0 [hbm:s6], $0xF7A  }
0x23: {  	s9 =	sor.u32 $0xD0000000, s2;
	s6 =	simm.s32 $0x108;
	_ =	swait.ge @!p0 [sflag:s8], $0x0  }
0x24: {  	s3 =	sadd.s32 $0x88, s3;
	s6 =	simm.s32 @!p1 $0x1082;
	[sflag:s4] =	ssyncset.s32 $0xFFFFF086  }
0x25: {  	[simem:s6], [sflag:s4] =	dma.local [hbm:s3], $0xF7A  }
0x26: {  	[smem:$0x3F98] =	sst s1;
	(tag) =	ssettag s2;
	_ =	strace s9  }
0x27: {  	s1 =	sld [smem:$0x3FA8]  }
0x28: {  	s2 =	sld [smem:$0x3FA9]  }
0x29: {  	s4 =	sld [smem:$0x3FAB]  }
0x2a: {  	p0 =	seq.s32 s5, $0x0;
	s5 =	sld [smem:$0x3FAC]  }
0x2b: {  	s6 =	sld [smem:$0x3FAD]  }
0x2c: {  	s7 =	sld [smem:$0x3FAE]  }
0x2d: {  	s3 =	simm.s32 $0x108;
	s8 =	sld [smem:$0x3FAF]  }
0x2e: {  	s3 =	simm.s32 @!p0 $0x1082;
	s9 =	sld [smem:$0x3FB0]  }
0x2f: {  	lr =	sadd.s32 s0, s3;
	s0 =	sld [smem:$0x3FA7]  }
0x30: {  	s3 =	sld [smem:$0x3FAA]  }
0x31: {  	[smem:$0x3FB3] =	sst s10  }
0x32: {  	s10 =	sld [smem:$0x3FB1];
	_ =	sdelay $0x3  }
0x33: {  	p0 =	seq.s32 s10, $0x1;
	s10 =	sld [smem:$0x3FB3];
	_ =	sdelay $0x3  }
0x34: {  	[smem:$0x3FB3] =	sst s10  }
0x35: {  	s10 =	sld [smem:$0x3FB2];
	_ =	sdelay $0x3  }
0x36: {  	p1 =	seq.s32 s10, $0x1;
	s10 =	sld [smem:$0x3FB3];
	_ =	sdelay $0x3  }
0x37: {  	[smem:$0x3FB3] =	sst s10  }
0x38: {  	s10 =	sld [smem:$0x3FB4]  }
0x39: {  	_ = 	snop;
	(pc) =	sbr.ind lr, $3  }
0x3a: {  	_ = 	snop  }
0x3b: {  	_ = 	snop  }
0x3c: {  	p2 =	seq.s32 s10, $0x1;
	s10 =	sld [smem:$0x3FB3]  }
0x3d: {  	_ =	shalt  }
0x3e: {  	_ =	shalt  }
0x3f: {  	_ =	shalt  }
0x40: {  	_ =	shalt  }
0x41: {  	_ =	shalt  }
0x42: {  	_ =	shalt  }
0x43: {  	_ =	shalt  }
0x44: {  	_ =	shalt  }
0x45: {  	_ =	shalt  }
0x46: {  	_ =	shalt  }
0x47: {  	_ =	shalt  }
0x48: {  	_ =	shalt  }
0x49: {  	_ =	shalt  }
0x4a: {  	_ =	shalt  }
0x4b: {  	_ =	shalt  }
0x4c: {  	_ =	shalt  }
0x4d: {  	_ =	shalt  }
0x4e: {  	_ =	shalt  }
0x4f: {  	_ =	shalt  }
0x50: {  	_ =	shalt  }
0x51: {  	_ =	shalt  }
0x52: {  	_ =	shalt  }
0x53: {  	_ =	shalt  }
0x54: {  	_ =	shalt  }
0x55: {  	_ =	shalt  }
0x56: {  	_ =	shalt  }
0x57: {  	_ =	shalt  }
0x58: {  	_ =	shalt  }
0x59: {  	_ =	shalt  }
0x5a: {  	_ =	shalt  }
0x5b: {  	_ =	shalt  }
0x5c: {  	_ =	shalt  }
0x5d: {  	_ =	shalt  }
0x5e: {  	_ =	shalt  }
0x5f: {  	_ =	shalt  }
0x60: {  	_ =	shalt  }
0x61: {  	_ =	shalt  }
0x62: {  	_ =	shalt  }
0x63: {  	_ =	shalt  }
0x64: {  	_ =	shalt  }
0x65: {  	_ =	shalt  }
0x66: {  	_ =	shalt  }
0x67: {  	_ =	shalt  }
0x68: {  	_ =	shalt  }
0x69: {  	_ =	shalt  }
0x6a: {  	_ =	shalt  }
0x6b: {  	_ =	shalt  }
0x6c: {  	_ =	shalt  }
0x6d: {  	_ =	shalt  }
0x6e: {  	_ =	shalt  }
0x6f: {  	_ =	shalt  }
0x70: {  	_ =	shalt  }
0x71: {  	_ =	shalt  }
0x72: {  	_ =	shalt  }
0x73: {  	_ =	shalt  }
0x74: {  	_ =	shalt  }
0x75: {  	_ =	shalt  }
0x76: {  	_ =	shalt  }
0x77: {  	_ =	shalt  }
0x78: {  	_ =	shalt  }
0x79: {  	_ =	shalt  }
0x7a: {  	_ =	shalt  }
0x7b: {  	_ =	shalt  }
0x7c: {  	_ =	shalt  }
0x7d: {  	_ =	shalt  }
0x7e: {  	_ =	shalt  }
0x7f: {  	_ =	shalt  }
0x80: {  	_ =	shalt  }
0x81: {  	_ =	shalt  }
0x82: {  	_ =	shalt  }
0x83: {  	_ =	shalt  }
0x84: {  	_ =	shalt  }
0x85: {  	_ =	shalt  }
0x86: {  	_ =	shalt  }
0x87: {  	_ =	shalt  }
.Lfunc_end0:
.L_simem_size_0:
called_computation_lowered:
.L_overlay_start_0:
0x88: {  	s2 =	sld [smem:$0x3FD9]  }
0x89: {  	s3 =	sld [smem:$0x3FFE];
	_ =	sdelay $0x1  }
0x8a: {  	s1 =	srdreg.scid  }
0x8b: {  	s0 =	sand.u32 $0x1, s1  }
0x8c: {  	s16 =	sshll.u32 s0, $0xA;
	s2 =	sadd.s32 s3, s2  }
0x8d: {  	s2 =	sadd.s32 s2, s16  }
0x8e: {  	[smem:$0x3FBF] =	sst s2  }
0x8f: {  	_ = 	snop  }
0x90: {  	(tm) =	ssettm $0x1  }
0x91: {  	s17 =	sld [smem:$0x3FFB];
	_ =	sdelay $0x3  }
0x92: {  	_ =	strace s17  }
0x93: {  	s2 =	sld [smem:$0x3FFC];
	_ =	sdelay $0x3  }
0x94: {  	_ =	strace s2  }
0x95: {  	s2 =	sld [smem:$0x3FFD];
	_ =	sdelay $0x3  }
0x96: {  	_ =	strace s2  }
0x97: {  	_ =	strace $0x8FFFFFFF  }
0x98: {  	s18 =	sld [smem:$0x3FDB];
	_ =	sdelay $0x1  }
0x99: {  	s19 =	simm.s32 $_scs_section_size  }
0x9a: {  	s4 =	simm.s32 $_size__tile_overlayer_lowered;
	s5 =	simm.s32 $_tile_overlayer_lowered  }
0x9b: {  	s22 =	simm.s32 $0x1BFF;
	s21 =	sshll.u32 s5, $0x1;
	s2 =	sadd.s32 s19, s18  }
0x9c: {  	s6 =	simm.s32 $0x0;
	s20 =	sshll.u32 s4, $0x1;
	s4 =	sadd.s32 s21, s2  }
0x9d: {  	[timem:s6], [sflag:s22] =	dma.local [hbm:s4], s20  }
0x9e: {  	_ =	swait.ge [sflag:s22], s20  }
0x9f: {  	s3 =	ssub.s32 $0x0, s20;
	[sflag:s22] =	ssyncset.done $0x0  }
0xa0: {  	[sflag:s22] =	ssyncadd.s32 s3;
	_ =	sdelay $0x1  }
0xa1: {  	s23 =	simm.s32 $0x1B8B  }
0xa2: {  	_ =	swait.ge [sflag:s23], $0x1  }
0xa3: {  	[sflag:s23] =	ssyncset.done $0x0  }
0xa4: {  	s25 =	simm.s32 $0x1B8E;
	s24 =	sld [smem:$0x3FFE];
	[sflag:s23] =	ssyncadd.s32 $0xFFFFFFFF  }
0xa5: {  	s26 =	simm.s32 $execute0_lowered;
	[smem:$0x3FD2] =	sst s25  }
0xa6: {  	s4 =	sshll.u32 s26, $0x1;
	_ =	strace $0x80000046;
	[dreg:$0x1] =	wrdreg $0xFFFFFFFF  }
0xa7: {  	s28 =	simm.s32 $_size_execute0_lowered;
	s2 =	sadd.s32 s2, s4;
	[dreg:$0x0] =	wrdreg $0x0  }
0xa8: {  	s4 =	sshll.u32 s28, $0x1;
	[dreg:$0x2] =	wrdreg s2  }
0xa9: {  	[dreg:$0x3] =	wrdreg s4  }
0xaa: {  	[dreg:$0x4] =	wrdreg $0xC0  }
0xab: {  	_ =	task [dreg:s6], $0x5FFFF  }
0xac: {  	[dreg:$0x1] =	wrdreg $0xFFFFFFFF  }
0xad: {  	[dreg:$0x0] =	wrdreg $0x60  }
0xae: {  	[dreg:$0x2] =	wrdreg s24  }
0xaf: {  	[dreg:$0x3] =	wrdreg $0x9  }
0xb0: {  	_ =	task.clear_ibuf [dreg:s6], $0x4FFFF;
	_ =	strace $0x90000046  }
0xb1: {  	s29 =	simm.s32 $0x9;
	_ =	strace $0x80000048  }
0xb2: {  	_ =	swait.ge [sflag:s29], $0x1  }
0xb3: {  	[sflag:s29] =	ssyncadd.s32 $0xFFFFFFFF  }
0xb4: {  	_ =	strace $0x90000048  }
0xb5: {  	_ =	sfence  }
0xb6: {  	s30 =	sld [smem:$0x0];
	_ =	sdelay $0x2  }
0xb7: {  	s31 =	sshll.u32 s1, $0xD;
	s1 =	sshrl.u32 s1, $0x2  }
0xb8: {  	s3 =	sand.u32 $0x4000, s31;
	s1 =	sadd.s32 s1, s30  }
0xb9: {  	s0 =	sor.u32 s3, s0;
	s1 =	sshll.u32 s1, $0x11  }
0xba: {  	s0 =	sor.u32 s1, s0  }
0xbb: {  	s0 =	sadd.s32 $0x8F2B, s0  }
0xbc: {  	[sflag:s0] =	ssyncadd.remote.s32 $0x1  }
0xbd: {  	_ =	sfence.sel $0xFFFF  }
0xbe: {  	[dreg:$0x0] =	wrdreg $0xFFFFFFFF;
	(pc) =	sbr.abs _section_cstart, $3  }
0xbf: {  	[dreg:$0x1] =	wrdreg $0xFFFFFFFF  }
0xc0: {  	_ =	task.clear_ibuf [dreg:s6], $0x2FFFF;
	_ =	strace $0x9FFFFFFF  }
0xc1: {  	(tm) =	ssettm $0x7FFFFFFF  }
tec
execute0_lowered:
.L_overlay_start_1:
0x0: {  	(tag) =	ssettag $0x1  }
0x1: {  	s1 =	srdreg.scid  }
0x2: {  	s0 =	stileid.u32;
	s1 =	sand.u32 $0x1, s1  }
0x3: {  	s2 =	sshll.u32 s0, $0xA;
	s3 =	sshll.u32 s1, $0x9  }
0x4: {  	s3 =	sor.u32 s3, s2  }
0x5: {  	s25 =	rddreg [dreg:$0x0];
	s4 =	sshrl.u32 s3, $0x3  }
0x6: {  	s2 =	simm.s32 $0x0;
	s3 =	sshll.u32 s3, $0x2;
	s4 =	sadd.s32 s4, s25  }
0x7: {  	[smem:$0x7FF] =	sst s2;
	s31 =	sadd.s32 s3, s25;
	s5 =	sadd.s32 $0x5800, s4  }
0x8: {  	_ =	strace $0x80000047;
	s6 =	sadd.s32 $0x7000, s31;
	[dreg:$0x2] =	wrdreg s5  }
0x9: {  	s7 =	sadd.s32 $0x7200, s31;
	[dreg:$0x3] =	wrdreg s6  }
0xa: {  	s8 =	sadd.s32 $0x7400, s31;
	[dreg:$0x4] =	wrdreg s7  }
0xb: {  	s9 =	sadd.s32 $0x7600, s31;
	[dreg:$0x5] =	wrdreg s8  }
0xc: {  	s10 =	sadd.s32 $0x17000, s31;
	[dreg:$0x6] =	wrdreg s9  }
0xd: {  	s11 =	sadd.s32 $0x17200, s31;
	[dreg:$0x7] =	wrdreg s10  }
0xe: {  	s12 =	sadd.s32 $0x17400, s31;
	[dreg:$0x8] =	wrdreg s11  }
0xf: {  	s13 =	sadd.s32 $0x17600, s31;
	[dreg:$0x9] =	wrdreg s12  }
0x10: {  	s14 =	sadd.s32 $0x27000, s31;
	[dreg:$0xa] =	wrdreg s13  }
0x11: {  	s15 =	sadd.s32 $0x27200, s31;
	[dreg:$0xb] =	wrdreg s14  }
0x12: {  	s16 =	sadd.s32 $0x27400, s31;
	[dreg:$0xc] =	wrdreg s15  }
0x13: {  	s17 =	sadd.s32 $0x27600, s31;
	[dreg:$0xd] =	wrdreg s16  }
0x14: {  	s18 =	sadd.s32 $0x37000, s31;
	[dreg:$0xe] =	wrdreg s17  }
0x15: {  	s19 =	sadd.s32 $0x37200, s31;
	[dreg:$0xf] =	wrdreg s18  }
0x16: {  	s20 =	sadd.s32 $0x37400, s31;
	[dreg:$0x10] =	wrdreg s19  }
0x17: {  	s21 =	sadd.s32 $0x37600, s31;
	[dreg:$0x11] =	wrdreg s20  }
0x18: {  	s22 =	sadd.s32 $0x47000, s31;
	[dreg:$0x12] =	wrdreg s21  }
0x19: {  	s23 =	sadd.s32 $0x47200, s31;
	[dreg:$0x13] =	wrdreg s22  }
0x1a: {  	s24 =	sadd.s32 $0x47400, s31;
	[dreg:$0x14] =	wrdreg s23  }
0x1b: {  	s3 =	simm.s32 $0x3;
	[dreg:$0x15] =	wrdreg s24  }
0x1c: {  	s4 =	simm.s32 $0x200;
	s5 =	simm.s32 $0x4000;
	s6 =	rddreg [dreg:$0x2]  }
0x1d: {  	[tilespmem:s2], [sflag:$0x3] =	stream.strided.gather [hbm4b:s6+s4], $0x600, s5, s4, $0x38;
	[tilespmem:$0x2600] =	vst v63  }
0x1e: {  	_ =	swait.ge [sflag:s3], $0x600  }
0x1f: {  	s7 =	simm.s32 $0x80;
	[sflag:s3] =	ssyncset.done $0x0  }
0x20: {  	s8 =	simm.s32 $0x600;
	s6 =	sadd.s32 $0x374E00, s25;
	[sflag:s3] =	ssyncadd.s32 $0xFFFFFA00  }
0x21: {  	[tilespmem:s8], [sflag:$0x1] =	stream.indirect.gather [hbm4b:s6+s7], $0x20, s2, s7, $0xb8;
	[tilespmem:$0x2600] =	vst v63  }
0x22: {  	s9 =	simm.s32 $0x1600;
	s10 =	simm.s32 $0x1  }
0x23: {  	[tilespmem:s9], [sflag:$0x2] =	stream.indirect.gather [hbm4b:s6+s7], $0x20, s7, s7, $0xb8;
	[tilespmem:$0x2600] =	vst v63  }
0x24: {  	_ =	swait.ge [sflag:s10], $0x1000  }
0x25: {  	[sflag:s10] =	ssyncset.done $0x0  }
0x26: {  	s11 =	rddreg [dreg:$0x3];
	[sflag:s10] =	ssyncadd.s32 $0xFFFFF000  }
0x27: {  	[hbm4b:s11+s2] =	stream.linear.scatter [tilespmem:s8], [sflag:$0x3], $0x1000, $0x38;
	[tilespmem:$0x2600] =	vst v63  }
0x28: {  	_ =	swait.ge [sflag:s3], $0x1000  }
0x29: {  	[sflag:s3] =	ssyncset.done $0x0  }
0x2a: {  	s12 =	simm.s32 $0x2;
	s11 =	simm.s32 $0x100;
	[sflag:s3] =	ssyncadd.s32 $0xFFFFF000  }
0x2b: {  	[tilespmem:s8], [sflag:$0x1] =	stream.indirect.gather [hbm4b:s6+s7], $0x20, s11, s7, $0xb8;
	[tilespmem:$0x2600] =	vst v63  }
0x2c: {  	_ =	swait.ge [sflag:s12], $0x1000  }
0x2d: {  	[sflag:s12] =	ssyncset.done $0x0  }
0x2e: {  	s13 =	rddreg [dreg:$0x4];
	[sflag:s12] =	ssyncadd.s32 $0xFFFFF000  }
0x2f: {  	[hbm4b:s13+s2] =	stream.linear.scatter [tilespmem:s9], [sflag:$0x3], $0x1000, $0x38;
	[tilespmem:$0x2600] =	vst v63  }
0x30: {  	_ =	swait.ge [sflag:s3], $0x1000  }
0x31: {  	[sflag:s3] =	ssyncset.done $0x0  }
0x32: {  	s13 =	simm.s32 $0x180;
	[sflag:s3] =	ssyncadd.s32 $0xFFFFF000  }
0x33: {  	[tilespmem:s9], [sflag:$0x2] =	stream.indirect.gather [hbm4b:s6+s7], $0x20, s13, s7, $0xb8;
	[tilespmem:$0x2600] =	vst v63  }
0x34: {  	_ =	swait.ge [sflag:s10], $0x1000  }
0x35: {  	[sflag:s10] =	ssyncset.done $0x0  }
0x36: {  	s14 =	rddreg [dreg:$0x5];
	[sflag:s10] =	ssyncadd.s32 $0xFFFFF000  }
0x37: {  	[hbm4b:s14+s2] =	stream.linear.scatter [tilespmem:s8], [sflag:$0x3], $0x1000, $0x38;
	[tilespmem:$0x2600] =	vst v63  }
0x38: {  	_ =	swait.ge [sflag:s3], $0x1000  }
0x39: {  	[sflag:s3] =	ssyncset.done $0x0  }
0x3a: {  	s14 =	sadd.s32 $0x313200, s25;
	[sflag:s3] =	ssyncadd.s32 $0xFFFFF000  }
0x3b: {  	[tilespmem:s8], [sflag:$0x1] =	stream.indirect.gather [hbm4b:s14+s7], $0x20, s4, s7, $0xb8;
	[tilespmem:$0x2600] =	vst v63  }
0x3c: {  	_ =	swait.ge [sflag:s12], $0x1000  }
0x3d: {  	[sflag:s12] =	ssyncset.done $0x0  }
0x3e: {  	s15 =	rddreg [dreg:$0x6];
	[sflag:s12] =	ssyncadd.s32 $0xFFFFF000  }
0x3f: {  	[hbm4b:s15+s2] =	stream.linear.scatter [tilespmem:s9], [sflag:$0x3], $0x1000, $0x38;
	[tilespmem:$0x2600] =	vst v63  }
0x40: {  	_ =	swait.ge [sflag:s3], $0x1000  }
0x41: {  	[sflag:s3] =	ssyncset.done $0x0  }
0x42: {  	s15 =	simm.s32 $0x280;
	[sflag:s3] =	ssyncadd.s32 $0xFFFFF000  }
0x43: {  	[tilespmem:s9], [sflag:$0x2] =	stream.indirect.gather [hbm4b:s14+s7], $0x20, s15, s7, $0xb8;
	[tilespmem:$0x2600] =	vst v63  }
0x44: {  	_ =	swait.ge [sflag:s10], $0x1000  }
0x45: {  	[sflag:s10] =	ssyncset.done $0x0  }
0x46: {  	s16 =	rddreg [dreg:$0x7];
	[sflag:s10] =	ssyncadd.s32 $0xFFFFF000  }
0x47: {  	[hbm4b:s16+s2] =	stream.linear.scatter [tilespmem:s8], [sflag:$0x3], $0x1000, $0x38;
	[tilespmem:$0x2600] =	vst v63  }
0x48: {  	_ =	swait.ge [sflag:s3], $0x1000  }
0x49: {  	[sflag:s3] =	ssyncset.done $0x0  }
0x4a: {  	s16 =	simm.s32 $0x300;
	[sflag:s3] =	ssyncadd.s32 $0xFFFFF000  }
0x4b: {  	[tilespmem:s8], [sflag:$0x1] =	stream.indirect.gather [hbm4b:s14+s7], $0x20, s16, s7, $0xb8;
	[tilespmem:$0x2600] =	vst v63  }
0x4c: {  	_ =	swait.ge [sflag:s12], $0x1000  }
0x4d: {  	[sflag:s12] =	ssyncset.done $0x0  }
0x4e: {  	s17 =	rddreg [dreg:$0x8];
	[sflag:s12] =	ssyncadd.s32 $0xFFFFF000  }
0x4f: {  	[hbm4b:s17+s2] =	stream.linear.scatter [tilespmem:s9], [sflag:$0x3], $0x1000, $0x38;
	[tilespmem:$0x2600] =	vst v63  }
0x50: {  	_ =	swait.ge [sflag:s3], $0x1000  }
0x51: {  	[sflag:s3] =	ssyncset.done $0x0  }
0x52: {  	s17 =	simm.s32 $0x380;
	[sflag:s3] =	ssyncadd.s32 $0xFFFFF000  }
0x53: {  	[tilespmem:s9], [sflag:$0x2] =	stream.indirect.gather [hbm4b:s14+s7], $0x20, s17, s7, $0xb8;
	[tilespmem:$0x2600] =	vst v63  }
0x54: {  	_ =	swait.ge [sflag:s10], $0x1000  }
0x55: {  	[sflag:s10] =	ssyncset.done $0x0  }
0x56: {  	s18 =	rddreg [dreg:$0x9];
	[sflag:s10] =	ssyncadd.s32 $0xFFFFF000  }
0x57: {  	[hbm4b:s18+s2] =	stream.linear.scatter [tilespmem:s8], [sflag:$0x3], $0x1000, $0x38;
	[tilespmem:$0x2600] =	vst v63  }
0x58: {  	_ =	swait.ge [sflag:s3], $0x1000  }
0x59: {  	[sflag:s3] =	ssyncset.done $0x0  }
0x5a: {  	s19 =	simm.s32 $0x400;
	s18 =	sadd.s32 $0x2B1600, s25;
	[sflag:s3] =	ssyncadd.s32 $0xFFFFF000  }
0x5b: {  	[tilespmem:s8], [sflag:$0x1] =	stream.indirect.gather [hbm4b:s18+s7], $0x20, s19, s7, $0xb8;
	[tilespmem:$0x2600] =	vst v63  }
0x5c: {  	_ =	swait.ge [sflag:s12], $0x1000  }
0x5d: {  	[sflag:s12] =	ssyncset.done $0x0  }
0x5e: {  	s20 =	rddreg [dreg:$0xa];
	[sflag:s12] =	ssyncadd.s32 $0xFFFFF000  }
0x5f: {  	[hbm4b:s20+s2] =	stream.linear.scatter [tilespmem:s9], [sflag:$0x3], $0x1000, $0x38;
	[tilespmem:$0x2600] =	vst v63  }
0x60: {  	_ =	swait.ge [sflag:s3], $0x1000  }
0x61: {  	[sflag:s3] =	ssyncset.done $0x0  }
0x62: {  	s20 =	simm.s32 $0x480;
	[sflag:s3] =	ssyncadd.s32 $0xFFFFF000  }
0x63: {  	[tilespmem:s9], [sflag:$0x2] =	stream.indirect.gather [hbm4b:s18+s7], $0x20, s20, s7, $0xb8;
	[tilespmem:$0x2600] =	vst v63  }
0x64: {  	_ =	swait.ge [sflag:s10], $0x1000  }
0x65: {  	[sflag:s10] =	ssyncset.done $0x0  }
0x66: {  	s21 =	rddreg [dreg:$0xb];
	[sflag:s10] =	ssyncadd.s32 $0xFFFFF000  }
0x67: {  	[hbm4b:s21+s2] =	stream.linear.scatter [tilespmem:s8], [sflag:$0x3], $0x1000, $0x38;
	[tilespmem:$0x2600] =	vst v63  }
0x68: {  	_ =	swait.ge [sflag:s3], $0x1000  }
0x69: {  	[sflag:s3] =	ssyncset.done $0x0  }
0x6a: {  	s21 =	simm.s32 $0x500;
	[sflag:s3] =	ssyncadd.s32 $0xFFFFF000  }
0x6b: {  	[tilespmem:s8], [sflag:$0x1] =	stream.indirect.gather [hbm4b:s18+s7], $0x20, s21, s7, $0xb8;
	[tilespmem:$0x2600] =	vst v63  }
0x6c: {  	_ =	swait.ge [sflag:s12], $0x1000  }
0x6d: {  	[sflag:s12] =	ssyncset.done $0x0  }
0x6e: {  	s22 =	rddreg [dreg:$0xc];
	[sflag:s12] =	ssyncadd.s32 $0xFFFFF000  }
0x6f: {  	[hbm4b:s22+s2] =	stream.linear.scatter [tilespmem:s9], [sflag:$0x3], $0x1000, $0x38;
	[tilespmem:$0x2600] =	vst v63  }
0x70: {  	_ =	swait.ge [sflag:s3], $0x1000  }
0x71: {  	[sflag:s3] =	ssyncset.done $0x0  }
0x72: {  	s22 =	simm.s32 $0x580;
	[sflag:s3] =	ssyncadd.s32 $0xFFFFF000  }
0x73: {  	[tilespmem:s9], [sflag:$0x2] =	stream.indirect.gather [hbm4b:s18+s7], $0x20, s22, s7, $0xb8;
	[tilespmem:$0x2600] =	vst v63  }
0x74: {  	_ =	swait.ge [sflag:s10], $0x1000  }
0x75: {  	[sflag:s10] =	ssyncset.done $0x0  }
0x76: {  	s23 =	rddreg [dreg:$0xd];
	[sflag:s10] =	ssyncadd.s32 $0xFFFFF000  }
0x77: {  	[hbm4b:s23+s2] =	stream.linear.scatter [tilespmem:s8], [sflag:$0x3], $0x1000, $0x38;
	[tilespmem:$0x2600] =	vst v63  }
0x78: {  	_ =	swait.ge [sflag:s3], $0x1000  }
0x79: {  	[sflag:s3] =	ssyncset.done $0x0  }
0x7a: {  	s23 =	sadd.s32 $0x24FA00, s25;
	[sflag:s3] =	ssyncadd.s32 $0xFFFFF000  }
0x7b: {  	[tilespmem:s8], [sflag:$0x1] =	stream.indirect.gather [hbm4b:s23+s7], $0x20, s2, s7, $0xb8;
	[tilespmem:$0x2600] =	vst v63  }
0x7c: {  	_ =	swait.ge [sflag:s12], $0x1000  }
0x7d: {  	[sflag:s12] =	ssyncset.done $0x0  }
0x7e: {  	s24 =	rddreg [dreg:$0xe];
	[sflag:s12] =	ssyncadd.s32 $0xFFFFF000  }
0x7f: {  	[hbm4b:s24+s2] =	stream.linear.scatter [tilespmem:s9], [sflag:$0x3], $0x1000, $0x38;
	[tilespmem:$0x2600] =	vst v63  }
0x80: {  	_ =	swait.ge [sflag:s3], $0x1000  }
0x81: {  	[sflag:s3] =	ssyncset.done $0x0  }
0x82: {  	[sflag:s3] =	ssyncadd.s32 $0xFFFFF000  }
0x83: {  	[tilespmem:s9], [sflag:$0x2] =	stream.indirect.gather [hbm4b:s23+s7], $0x20, s7, s7, $0xb8;
	[tilespmem:$0x2600] =	vst v63  }
0x84: {  	_ =	swait.ge [sflag:s10], $0x1000  }
0x85: {  	[sflag:s10] =	ssyncset.done $0x0  }
0x86: {  	s26 =	rddreg [dreg:$0xf];
	[sflag:s10] =	ssyncadd.s32 $0xFFFFF000  }
0x87: {  	[hbm4b:s26+s2] =	stream.linear.scatter [tilespmem:s8], [sflag:$0x3], $0x1000, $0x38;
	[tilespmem:$0x2600] =	vst v63  }
0x88: {  	_ =	swait.ge [sflag:s3], $0x1000  }
0x89: {  	[sflag:s3] =	ssyncset.done $0x0  }
0x8a: {  	[sflag:s3] =	ssyncadd.s32 $0xFFFFF000  }
0x8b: {  	[tilespmem:s8], [sflag:$0x1] =	stream.indirect.gather [hbm4b:s23+s7], $0x20, s11, s7, $0xb8;
	[tilespmem:$0x2600] =	vst v63  }
0x8c: {  	_ =	swait.ge [sflag:s12], $0x1000  }
0x8d: {  	[sflag:s12] =	ssyncset.done $0x0  }
0x8e: {  	s0 =	rddreg [dreg:$0x10];
	[sflag:s12] =	ssyncadd.s32 $0xFFFFF000  }
0x8f: {  	[hbm4b:s0+s2] =	stream.linear.scatter [tilespmem:s9], [sflag:$0x3], $0x1000, $0x38;
	[tilespmem:$0x2600] =	vst v63  }
0x90: {  	_ =	swait.ge [sflag:s3], $0x1000  }
0x91: {  	[sflag:s3] =	ssyncset.done $0x0  }
0x92: {  	[sflag:s3] =	ssyncadd.s32 $0xFFFFF000  }
0x93: {  	[tilespmem:s9], [sflag:$0x2] =	stream.indirect.gather [hbm4b:s23+s7], $0x20, s13, s7, $0xb8;
	[tilespmem:$0x2600] =	vst v63  }
0x94: {  	_ =	swait.ge [sflag:s10], $0x1000  }
0x95: {  	[sflag:s10] =	ssyncset.done $0x0  }
0x96: {  	s26 =	rddreg [dreg:$0x11];
	[sflag:s10] =	ssyncadd.s32 $0xFFFFF000  }
0x97: {  	[hbm4b:s26+s2] =	stream.linear.scatter [tilespmem:s8], [sflag:$0x3], $0x1000, $0x38;
	[tilespmem:$0x2600] =	vst v63  }
0x98: {  	_ =	swait.ge [sflag:s3], $0x1000  }
0x99: {  	[sflag:s3] =	ssyncset.done $0x0  }
0x9a: {  	s24 =	sadd.s32 $0x1EDE00, s25;
	[sflag:s3] =	ssyncadd.s32 $0xFFFFF000  }
0x9b: {  	[tilespmem:s8], [sflag:$0x1] =	stream.indirect.gather [hbm4b:s24+s7], $0x20, s4, s7, $0xb8;
	[tilespmem:$0x2600] =	vst v63  }
0x9c: {  	_ =	swait.ge [sflag:s12], $0x1000  }
0x9d: {  	[sflag:s12] =	ssyncset.done $0x0  }
0x9e: {  	s26 =	rddreg [dreg:$0x12];
	[sflag:s12] =	ssyncadd.s32 $0xFFFFF000  }
0x9f: {  	[hbm4b:s26+s2] =	stream.linear.scatter [tilespmem:s9], [sflag:$0x3], $0x1000, $0x38;
	[tilespmem:$0x2600] =	vst v63  }
0xa0: {  	_ =	swait.ge [sflag:s3], $0x1000  }
0xa1: {  	[sflag:s3] =	ssyncset.done $0x0  }
0xa2: {  	[sflag:s3] =	ssyncadd.s32 $0xFFFFF000  }
0xa3: {  	[tilespmem:s9], [sflag:$0x2] =	stream.indirect.gather [hbm4b:s24+s7], $0x20, s15, s7, $0xb8;
	[tilespmem:$0x2600] =	vst v63  }
0xa4: {  	_ =	swait.ge [sflag:s10], $0x1000  }
0xa5: {  	[sflag:s10] =	ssyncset.done $0x0  }
0xa6: {  	s0 =	rddreg [dreg:$0x13];
	[sflag:s10] =	ssyncadd.s32 $0xFFFFF000  }
0xa7: {  	[hbm4b:s0+s2] =	stream.linear.scatter [tilespmem:s8], [sflag:$0x3], $0x1000, $0x38;
	[tilespmem:$0x2600] =	vst v63  }
0xa8: {  	_ =	swait.ge [sflag:s3], $0x1000  }
0xa9: {  	[sflag:s3] =	ssyncset.done $0x0  }
0xaa: {  	[sflag:s3] =	ssyncadd.s32 $0xFFFFF000  }
0xab: {  	[tilespmem:s8], [sflag:$0x1] =	stream.indirect.gather [hbm4b:s24+s7], $0x20, s16, s7, $0xb8;
	[tilespmem:$0x2600] =	vst v63  }
0xac: {  	_ =	swait.ge [sflag:s12], $0x1000  }
0xad: {  	[sflag:s12] =	ssyncset.done $0x0  }
0xae: {  	s0 =	rddreg [dreg:$0x14];
	[sflag:s12] =	ssyncadd.s32 $0xFFFFF000  }
0xaf: {  	[hbm4b:s0+s2] =	stream.linear.scatter [tilespmem:s9], [sflag:$0x3], $0x1000, $0x38;
	[tilespmem:$0x2600] =	vst v63  }
0xb0: {  	_ =	swait.ge [sflag:s3], $0x1000  }
0xb1: {  	[sflag:s3] =	ssyncset.done $0x0  }
0xb2: {  	[sflag:s3] =	ssyncadd.s32 $0xFFFFF000  }
0xb3: {  	[tilespmem:s9], [sflag:$0x2] =	stream.indirect.gather [hbm4b:s24+s7], $0x20, s17, s7, $0xb8;
	[tilespmem:$0x2600] =	vst v63  }
0xb4: {  	_ =	swait.ge [sflag:s10], $0x1000  }
0xb5: {  	[sflag:s10] =	ssyncset.done $0x0  }
0xb6: {  	s0 =	rddreg [dreg:$0x15];
	[sflag:s10] =	ssyncadd.s32 $0xFFFFF000  }
0xb7: {  	[hbm4b:s0+s2] =	stream.linear.scatter [tilespmem:s8], [sflag:$0x3], $0x1000, $0x38;
	[tilespmem:$0x2600] =	vst v63  }
0xb8: {  	_ =	swait.ge [sflag:s3], $0x1000  }
0xb9: {  	[sflag:s3] =	ssyncset.done $0x0  }
0xba: {  	s25 =	sadd.s32 $0x18C200, s25;
	[sflag:s3] =	ssyncadd.s32 $0xFFFFF000  }
0xbb: {  	[tilespmem:s8], [sflag:$0x1] =	stream.indirect.gather [hbm4b:s25+s7], $0x20, s19, s7, $0xb8;
	[tilespmem:$0x2600] =	vst v63  }
0xbc: {  	_ =	swait.ge [sflag:s12], $0x1000  }
0xbd: {  	[sflag:s12] =	ssyncset.done $0x0  }
0xbe: {  	s26 =	sadd.s32 $0x47600, s31;
	[sflag:s12] =	ssyncadd.s32 $0xFFFFF000  }
0xbf: {  	[hbm4b:s26+s2] =	stream.linear.scatter [tilespmem:s9], [sflag:$0x3], $0x1000, $0x38;
	[tilespmem:$0x2600] =	vst v63  }
0xc0: {  	_ =	swait.ge [sflag:s3], $0x1000  }
0xc1: {  	[sflag:s3] =	ssyncset.done $0x0  }
0xc2: {  	[sflag:s3] =	ssyncadd.s32 $0xFFFFF000  }
0xc3: {  	[tilespmem:s9], [sflag:$0x2] =	stream.indirect.gather [hbm4b:s25+s7], $0x20, s20, s7, $0xb8;
	[tilespmem:$0x2600] =	vst v63  }
0xc4: {  	_ =	swait.ge [sflag:s10], $0x1000  }
0xc5: {  	[sflag:s10] =	ssyncset.done $0x0  }
0xc6: {  	s28 =	sadd.s32 $0x57000, s31;
	[sflag:s10] =	ssyncadd.s32 $0xFFFFF000  }
0xc7: {  	[hbm4b:s28+s2] =	stream.linear.scatter [tilespmem:s8], [sflag:$0x3], $0x1000, $0x38;
	[tilespmem:$0x2600] =	vst v63  }
0xc8: {  	_ =	swait.ge [sflag:s3], $0x1000  }
0xc9: {  	[sflag:s3] =	ssyncset.done $0x0  }
0xca: {  	[sflag:s3] =	ssyncadd.s32 $0xFFFFF000  }
0xcb: {  	[tilespmem:s8], [sflag:$0x1] =	stream.indirect.gather [hbm4b:s25+s7], $0x20, s21, s7, $0xb8;
	[tilespmem:$0x2600] =	vst v63  }
0xcc: {  	_ =	swait.ge [sflag:s12], $0x1000  }
0xcd: {  	[sflag:s12] =	ssyncset.done $0x0  }
0xce: {  	s29 =	sadd.s32 $0x57200, s31;
	[sflag:s12] =	ssyncadd.s32 $0xFFFFF000  }
0xcf: {  	[hbm4b:s29+s2] =	stream.linear.scatter [tilespmem:s9], [sflag:$0x3], $0x1000, $0x38;
	[tilespmem:$0x2600] =	vst v63  }
0xd0: {  	_ =	swait.ge [sflag:s3], $0x1000  }
0xd1: {  	[sflag:s3] =	ssyncset.done $0x0  }
0xd2: {  	[sflag:s3] =	ssyncadd.s32 $0xFFFFF000  }
0xd3: {  	[tilespmem:s9], [sflag:$0x2] =	stream.indirect.gather [hbm4b:s25+s7], $0x20, s22, s7, $0xb8;
	[tilespmem:$0x2600] =	vst v63  }
0xd4: {  	_ =	swait.ge [sflag:s10], $0x1000  }
0xd5: {  	s1 =	ssub.s32 $0x2, s1;
	[sflag:s10] =	ssyncset.done $0x0  }
0xd6: {  	s30 =	sadd.s32 $0x57400, s31;
	s0 =	sshrl.u32 s1, $0x1;
	[sflag:s10] =	ssyncadd.s32 $0xFFFFF000  }
0xd7: {  	[hbm4b:s30+s2] =	stream.linear.scatter [tilespmem:s8], [sflag:$0x3], $0x1000, $0x38;
	[tilespmem:$0x2600] =	vst v63  }
0xd8: {  	s0 =	ssub.s32 s1, s0;
	_ =	swait.ge [sflag:s3], $0x1000  }
0xd9: {  	s0 =	smax.u32 s0, $0x1;
	[sflag:s3] =	ssyncset.done $0x0  }
0xda: {  	p0 =	sne.s32 s0, $0x1;
	[sflag:s3] =	ssyncadd.s32 $0xFFFFF000  }
.Ltmp0:
0xdb: {  	_ =	swait.ge [sflag:s12], $0x1000;
	(pc) =	sbr.rel @!p0 .LBB2_2-.Ltmp0, $4  }
0xdc: {  	[sflag:s12] =	ssyncset.done $0x0  }
0xdd: {  	s31 =	sadd.s32 $0x57600, s31;
	[sflag:s12] =	ssyncadd.s32 $0xFFFFF000  }
0xde: {  	[hbm4b:s31+s2] =	stream.linear.scatter [tilespmem:s9], [sflag:$0x3], $0x1000, $0x38;
	[tilespmem:$0x2600] =	vst v63  }
0xdf: {  	s1 =	sadd.s32 $0xFFFFFFFF, s0;
	_ =	swait.ge [sflag:s3], $0x1000  }
.LBB2_1:
0xe0: {  	[sflag:s3] =	ssyncset.done $0x0  }
0xe1: {  	s0 =	rddreg [dreg:$0x2];
	[sflag:s3] =	ssyncadd.s32 $0xFFFFF000  }
0xe2: {  	[tilespmem:s2], [sflag:$0x3] =	stream.strided.gather [hbm4b:s0+s4], $0x600, s5, s4, $0x38;
	[tilespmem:$0x2600] =	vst v63  }
0xe3: {  	_ =	swait.ge [sflag:s3], $0x600  }
0xe4: {  	[sflag:s3] =	ssyncset.done $0x0  }
0xe5: {  	[sflag:s3] =	ssyncadd.s32 $0xFFFFFA00  }
0xe6: {  	[tilespmem:s8], [sflag:$0x1] =	stream.indirect.gather [hbm4b:s6+s7], $0x20, s2, s7, $0xb8;
	[tilespmem:$0x2600] =	vst v63  }
0xe7: {  	_ = 	snop  }
0xe8: {  	[tilespmem:s9], [sflag:$0x2] =	stream.indirect.gather [hbm4b:s6+s7], $0x20, s7, s7, $0xb8;
	[tilespmem:$0x2600] =	vst v63  }
0xe9: {  	_ =	swait.ge [sflag:s10], $0x1000  }
0xea: {  	[sflag:s10] =	ssyncset.done $0x0  }
0xeb: {  	s0 =	rddreg [dreg:$0x3];
	[sflag:s10] =	ssyncadd.s32 $0xFFFFF000  }
0xec: {  	[hbm4b:s0+s2] =	stream.linear.scatter [tilespmem:s8], [sflag:$0x3], $0x1000, $0x38;
	[tilespmem:$0x2600] =	vst v63  }
0xed: {  	_ =	swait.ge [sflag:s3], $0x1000  }
0xee: {  	[sflag:s3] =	ssyncset.done $0x0  }
0xef: {  	[sflag:s3] =	ssyncadd.s32 $0xFFFFF000  }
0xf0: {  	[tilespmem:s8], [sflag:$0x1] =	stream.indirect.gather [hbm4b:s6+s7], $0x20, s11, s7, $0xb8;
	[tilespmem:$0x2600] =	vst v63  }
0xf1: {  	_ =	swait.ge [sflag:s12], $0x1000  }
0xf2: {  	[sflag:s12] =	ssyncset.done $0x0  }
0xf3: {  	s0 =	rddreg [dreg:$0x4];
	[sflag:s12] =	ssyncadd.s32 $0xFFFFF000  }
0xf4: {  	[hbm4b:s0+s2] =	stream.linear.scatter [tilespmem:s9], [sflag:$0x3], $0x1000, $0x38;
	[tilespmem:$0x2600] =	vst v63  }
0xf5: {  	_ =	swait.ge [sflag:s3], $0x1000  }
0xf6: {  	[sflag:s3] =	ssyncset.done $0x0  }
0xf7: {  	[sflag:s3] =	ssyncadd.s32 $0xFFFFF000  }
0xf8: {  	[tilespmem:s9], [sflag:$0x2] =	stream.indirect.gather [hbm4b:s6+s7], $0x20, s13, s7, $0xb8;
	[tilespmem:$0x2600] =	vst v63  }
0xf9: {  	_ =	swait.ge [sflag:s10], $0x1000  }
0xfa: {  	[sflag:s10] =	ssyncset.done $0x0  }
0xfb: {  	s0 =	rddreg [dreg:$0x5];
	[sflag:s10] =	ssyncadd.s32 $0xFFFFF000  }
0xfc: {  	[hbm4b:s0+s2] =	stream.linear.scatter [tilespmem:s8], [sflag:$0x3], $0x1000, $0x38;
	[tilespmem:$0x2600] =	vst v63  }
0xfd: {  	_ =	swait.ge [sflag:s3], $0x1000  }
0xfe: {  	[sflag:s3] =	ssyncset.done $0x0  }
0xff: {  	[sflag:s3] =	ssyncadd.s32 $0xFFFFF000  }
0x100: {  	[tilespmem:s8], [sflag:$0x1] =	stream.indirect.gather [hbm4b:s14+s7], $0x20, s4, s7, $0xb8;
	[tilespmem:$0x2600] =	vst v63  }
0x101: {  	_ =	swait.ge [sflag:s12], $0x1000  }
0x102: {  	[sflag:s12] =	ssyncset.done $0x0  }
0x103: {  	s0 =	rddreg [dreg:$0x6];
	[sflag:s12] =	ssyncadd.s32 $0xFFFFF000  }
0x104: {  	[hbm4b:s0+s2] =	stream.linear.scatter [tilespmem:s9], [sflag:$0x3], $0x1000, $0x38;
	[tilespmem:$0x2600] =	vst v63  }
0x105: {  	_ =	swait.ge [sflag:s3], $0x1000  }
0x106: {  	[sflag:s3] =	ssyncset.done $0x0  }
0x107: {  	[sflag:s3] =	ssyncadd.s32 $0xFFFFF000  }
0x108: {  	[tilespmem:s9], [sflag:$0x2] =	stream.indirect.gather [hbm4b:s14+s7], $0x20, s15, s7, $0xb8;
	[tilespmem:$0x2600] =	vst v63  }
0x109: {  	_ =	swait.ge [sflag:s10], $0x1000  }
0x10a: {  	[sflag:s10] =	ssyncset.done $0x0  }
0x10b: {  	s0 =	rddreg [dreg:$0x7];
	[sflag:s10] =	ssyncadd.s32 $0xFFFFF000  }
0x10c: {  	[hbm4b:s0+s2] =	stream.linear.scatter [tilespmem:s8], [sflag:$0x3], $0x1000, $0x38;
	[tilespmem:$0x2600] =	vst v63  }
0x10d: {  	_ =	swait.ge [sflag:s3], $0x1000  }
0x10e: {  	[sflag:s3] =	ssyncset.done $0x0  }
0x10f: {  	[sflag:s3] =	ssyncadd.s32 $0xFFFFF000  }
0x110: {  	[tilespmem:s8], [sflag:$0x1] =	stream.indirect.gather [hbm4b:s14+s7], $0x20, s16, s7, $0xb8;
	[tilespmem:$0x2600] =	vst v63  }
0x111: {  	_ =	swait.ge [sflag:s12], $0x1000  }
0x112: {  	[sflag:s12] =	ssyncset.done $0x0  }
0x113: {  	s0 =	rddreg [dreg:$0x8];
	[sflag:s12] =	ssyncadd.s32 $0xFFFFF000  }
0x114: {  	[hbm4b:s0+s2] =	stream.linear.scatter [tilespmem:s9], [sflag:$0x3], $0x1000, $0x38;
	[tilespmem:$0x2600] =	vst v63  }
0x115: {  	_ =	swait.ge [sflag:s3], $0x1000  }
0x116: {  	[sflag:s3] =	ssyncset.done $0x0  }
0x117: {  	[sflag:s3] =	ssyncadd.s32 $0xFFFFF000  }
0x118: {  	[tilespmem:s9], [sflag:$0x2] =	stream.indirect.gather [hbm4b:s14+s7], $0x20, s17, s7, $0xb8;
	[tilespmem:$0x2600] =	vst v63  }
0x119: {  	_ =	swait.ge [sflag:s10], $0x1000  }
0x11a: {  	[sflag:s10] =	ssyncset.done $0x0  }
0x11b: {  	s0 =	rddreg [dreg:$0x9];
	[sflag:s10] =	ssyncadd.s32 $0xFFFFF000  }
0x11c: {  	[hbm4b:s0+s2] =	stream.linear.scatter [tilespmem:s8], [sflag:$0x3], $0x1000, $0x38;
	[tilespmem:$0x2600] =	vst v63  }
0x11d: {  	_ =	swait.ge [sflag:s3], $0x1000  }
0x11e: {  	[sflag:s3] =	ssyncset.done $0x0  }
0x11f: {  	[sflag:s3] =	ssyncadd.s32 $0xFFFFF000  }
0x120: {  	[tilespmem:s8], [sflag:$0x1] =	stream.indirect.gather [hbm4b:s18+s7], $0x20, s19, s7, $0xb8;
	[tilespmem:$0x2600] =	vst v63  }
0x121: {  	_ =	swait.ge [sflag:s12], $0x1000  }
0x122: {  	[sflag:s12] =	ssyncset.done $0x0  }
0x123: {  	s0 =	rddreg [dreg:$0xa];
	[sflag:s12] =	ssyncadd.s32 $0xFFFFF000  }
0x124: {  	[hbm4b:s0+s2] =	stream.linear.scatter [tilespmem:s9], [sflag:$0x3], $0x1000, $0x38;
	[tilespmem:$0x2600] =	vst v63  }
0x125: {  	_ =	swait.ge [sflag:s3], $0x1000  }
0x126: {  	[sflag:s3] =	ssyncset.done $0x0  }
0x127: {  	[sflag:s3] =	ssyncadd.s32 $0xFFFFF000  }
0x128: {  	[tilespmem:s9], [sflag:$0x2] =	stream.indirect.gather [hbm4b:s18+s7], $0x20, s20, s7, $0xb8;
	[tilespmem:$0x2600] =	vst v63  }
0x129: {  	_ =	swait.ge [sflag:s10], $0x1000  }
0x12a: {  	[sflag:s10] =	ssyncset.done $0x0  }
0x12b: {  	s0 =	rddreg [dreg:$0xb];
	[sflag:s10] =	ssyncadd.s32 $0xFFFFF000  }
0x12c: {  	[hbm4b:s0+s2] =	stream.linear.scatter [tilespmem:s8], [sflag:$0x3], $0x1000, $0x38;
	[tilespmem:$0x2600] =	vst v63  }
0x12d: {  	_ =	swait.ge [sflag:s3], $0x1000  }
0x12e: {  	[sflag:s3] =	ssyncset.done $0x0  }
0x12f: {  	[sflag:s3] =	ssyncadd.s32 $0xFFFFF000  }
0x130: {  	[tilespmem:s8], [sflag:$0x1] =	stream.indirect.gather [hbm4b:s18+s7], $0x20, s21, s7, $0xb8;
	[tilespmem:$0x2600] =	vst v63  }
0x131: {  	_ =	swait.ge [sflag:s12], $0x1000  }
0x132: {  	[sflag:s12] =	ssyncset.done $0x0  }
0x133: {  	s0 =	rddreg [dreg:$0xc];
	[sflag:s12] =	ssyncadd.s32 $0xFFFFF000  }
0x134: {  	[hbm4b:s0+s2] =	stream.linear.scatter [tilespmem:s9], [sflag:$0x3], $0x1000, $0x38;
	[tilespmem:$0x2600] =	vst v63  }
0x135: {  	_ =	swait.ge [sflag:s3], $0x1000  }
0x136: {  	[sflag:s3] =	ssyncset.done $0x0  }
0x137: {  	[sflag:s3] =	ssyncadd.s32 $0xFFFFF000  }
0x138: {  	[tilespmem:s9], [sflag:$0x2] =	stream.indirect.gather [hbm4b:s18+s7], $0x20, s22, s7, $0xb8;
	[tilespmem:$0x2600] =	vst v63  }
0x139: {  	_ =	swait.ge [sflag:s10], $0x1000  }
0x13a: {  	[sflag:s10] =	ssyncset.done $0x0  }
0x13b: {  	s0 =	rddreg [dreg:$0xd];
	[sflag:s10] =	ssyncadd.s32 $0xFFFFF000  }
0x13c: {  	[hbm4b:s0+s2] =	stream.linear.scatter [tilespmem:s8], [sflag:$0x3], $0x1000, $0x38;
	[tilespmem:$0x2600] =	vst v63  }
0x13d: {  	_ =	swait.ge [sflag:s3], $0x1000  }
0x13e: {  	[sflag:s3] =	ssyncset.done $0x0  }
0x13f: {  	[sflag:s3] =	ssyncadd.s32 $0xFFFFF000  }
0x140: {  	[tilespmem:s8], [sflag:$0x1] =	stream.indirect.gather [hbm4b:s23+s7], $0x20, s2, s7, $0xb8;
	[tilespmem:$0x2600] =	vst v63  }
0x141: {  	_ =	swait.ge [sflag:s12], $0x1000  }
0x142: {  	[sflag:s12] =	ssyncset.done $0x0  }
0x143: {  	s0 =	rddreg [dreg:$0xe];
	[sflag:s12] =	ssyncadd.s32 $0xFFFFF000  }
0x144: {  	[hbm4b:s0+s2] =	stream.linear.scatter [tilespmem:s9], [sflag:$0x3], $0x1000, $0x38;
	[tilespmem:$0x2600] =	vst v63  }
0x145: {  	_ =	swait.ge [sflag:s3], $0x1000  }
0x146: {  	[sflag:s3] =	ssyncset.done $0x0  }
0x147: {  	[sflag:s3] =	ssyncadd.s32 $0xFFFFF000  }
0x148: {  	[tilespmem:s9], [sflag:$0x2] =	stream.indirect.gather [hbm4b:s23+s7], $0x20, s7, s7, $0xb8;
	[tilespmem:$0x2600] =	vst v63  }
0x149: {  	_ =	swait.ge [sflag:s10], $0x1000  }
0x14a: {  	[sflag:s10] =	ssyncset.done $0x0  }
0x14b: {  	s0 =	rddreg [dreg:$0xf];
	[sflag:s10] =	ssyncadd.s32 $0xFFFFF000  }
0x14c: {  	[hbm4b:s0+s2] =	stream.linear.scatter [tilespmem:s8], [sflag:$0x3], $0x1000, $0x38;
	[tilespmem:$0x2600] =	vst v63  }
0x14d: {  	_ =	swait.ge [sflag:s3], $0x1000  }
0x14e: {  	[sflag:s3] =	ssyncset.done $0x0  }
0x14f: {  	[sflag:s3] =	ssyncadd.s32 $0xFFFFF000  }
0x150: {  	[tilespmem:s8], [sflag:$0x1] =	stream.indirect.gather [hbm4b:s23+s7], $0x20, s11, s7, $0xb8;
	[tilespmem:$0x2600] =	vst v63  }
0x151: {  	_ =	swait.ge [sflag:s12], $0x1000  }
0x152: {  	[sflag:s12] =	ssyncset.done $0x0  }
0x153: {  	s0 =	rddreg [dreg:$0x10];
	[sflag:s12] =	ssyncadd.s32 $0xFFFFF000  }
0x154: {  	[hbm4b:s0+s2] =	stream.linear.scatter [tilespmem:s9], [sflag:$0x3], $0x1000, $0x38;
	[tilespmem:$0x2600] =	vst v63  }
0x155: {  	_ =	swait.ge [sflag:s3], $0x1000  }
0x156: {  	[sflag:s3] =	ssyncset.done $0x0  }
0x157: {  	[sflag:s3] =	ssyncadd.s32 $0xFFFFF000  }
0x158: {  	[tilespmem:s9], [sflag:$0x2] =	stream.indirect.gather [hbm4b:s23+s7], $0x20, s13, s7, $0xb8;
	[tilespmem:$0x2600] =	vst v63  }
0x159: {  	_ =	swait.ge [sflag:s10], $0x1000  }
0x15a: {  	[sflag:s10] =	ssyncset.done $0x0  }
0x15b: {  	s0 =	rddreg [dreg:$0x11];
	[sflag:s10] =	ssyncadd.s32 $0xFFFFF000  }
0x15c: {  	[hbm4b:s0+s2] =	stream.linear.scatter [tilespmem:s8], [sflag:$0x3], $0x1000, $0x38;
	[tilespmem:$0x2600] =	vst v63  }
0x15d: {  	_ =	swait.ge [sflag:s3], $0x1000  }
0x15e: {  	[sflag:s3] =	ssyncset.done $0x0  }
0x15f: {  	[sflag:s3] =	ssyncadd.s32 $0xFFFFF000  }
0x160: {  	[tilespmem:s8], [sflag:$0x1] =	stream.indirect.gather [hbm4b:s24+s7], $0x20, s4, s7, $0xb8;
	[tilespmem:$0x2600] =	vst v63  }
0x161: {  	_ =	swait.ge [sflag:s12], $0x1000  }
0x162: {  	[sflag:s12] =	ssyncset.done $0x0  }
0x163: {  	s0 =	rddreg [dreg:$0x12];
	[sflag:s12] =	ssyncadd.s32 $0xFFFFF000  }
0x164: {  	[hbm4b:s0+s2] =	stream.linear.scatter [tilespmem:s9], [sflag:$0x3], $0x1000, $0x38;
	[tilespmem:$0x2600] =	vst v63  }
0x165: {  	_ =	swait.ge [sflag:s3], $0x1000  }
0x166: {  	[sflag:s3] =	ssyncset.done $0x0  }
0x167: {  	[sflag:s3] =	ssyncadd.s32 $0xFFFFF000  }
0x168: {  	[tilespmem:s9], [sflag:$0x2] =	stream.indirect.gather [hbm4b:s24+s7], $0x20, s15, s7, $0xb8;
	[tilespmem:$0x2600] =	vst v63  }
0x169: {  	_ =	swait.ge [sflag:s10], $0x1000  }
0x16a: {  	[sflag:s10] =	ssyncset.done $0x0  }
0x16b: {  	s0 =	rddreg [dreg:$0x13];
	[sflag:s10] =	ssyncadd.s32 $0xFFFFF000  }
0x16c: {  	[hbm4b:s0+s2] =	stream.linear.scatter [tilespmem:s8], [sflag:$0x3], $0x1000, $0x38;
	[tilespmem:$0x2600] =	vst v63  }
0x16d: {  	_ =	swait.ge [sflag:s3], $0x1000  }
0x16e: {  	[sflag:s3] =	ssyncset.done $0x0  }
0x16f: {  	[sflag:s3] =	ssyncadd.s32 $0xFFFFF000  }
0x170: {  	[tilespmem:s8], [sflag:$0x1] =	stream.indirect.gather [hbm4b:s24+s7], $0x20, s16, s7, $0xb8;
	[tilespmem:$0x2600] =	vst v63  }
0x171: {  	_ =	swait.ge [sflag:s12], $0x1000  }
0x172: {  	[sflag:s12] =	ssyncset.done $0x0  }
0x173: {  	s0 =	rddreg [dreg:$0x14];
	[sflag:s12] =	ssyncadd.s32 $0xFFFFF000  }
0x174: {  	[hbm4b:s0+s2] =	stream.linear.scatter [tilespmem:s9], [sflag:$0x3], $0x1000, $0x38;
	[tilespmem:$0x2600] =	vst v63  }
0x175: {  	_ =	swait.ge [sflag:s3], $0x1000  }
0x176: {  	[sflag:s3] =	ssyncset.done $0x0  }
0x177: {  	[sflag:s3] =	ssyncadd.s32 $0xFFFFF000  }
0x178: {  	[tilespmem:s9], [sflag:$0x2] =	stream.indirect.gather [hbm4b:s24+s7], $0x20, s17, s7, $0xb8;
	[tilespmem:$0x2600] =	vst v63  }
0x179: {  	_ =	swait.ge [sflag:s10], $0x1000  }
0x17a: {  	[sflag:s10] =	ssyncset.done $0x0  }
0x17b: {  	s0 =	rddreg [dreg:$0x15];
	[sflag:s10] =	ssyncadd.s32 $0xFFFFF000  }
0x17c: {  	[hbm4b:s0+s2] =	stream.linear.scatter [tilespmem:s8], [sflag:$0x3], $0x1000, $0x38;
	[tilespmem:$0x2600] =	vst v63  }
0x17d: {  	_ =	swait.ge [sflag:s3], $0x1000  }
0x17e: {  	[sflag:s3] =	ssyncset.done $0x0  }
0x17f: {  	[sflag:s3] =	ssyncadd.s32 $0xFFFFF000  }
0x180: {  	[tilespmem:s8], [sflag:$0x1] =	stream.indirect.gather [hbm4b:s25+s7], $0x20, s19, s7, $0xb8;
	[tilespmem:$0x2600] =	vst v63  }
0x181: {  	_ =	swait.ge [sflag:s12], $0x1000  }
0x182: {  	[sflag:s12] =	ssyncset.done $0x0  }
0x183: {  	[sflag:s12] =	ssyncadd.s32 $0xFFFFF000  }
0x184: {  	[hbm4b:s26+s2] =	stream.linear.scatter [tilespmem:s9], [sflag:$0x3], $0x1000, $0x38;
	[tilespmem:$0x2600] =	vst v63  }
0x185: {  	_ =	swait.ge [sflag:s3], $0x1000  }
0x186: {  	[sflag:s3] =	ssyncset.done $0x0  }
0x187: {  	[sflag:s3] =	ssyncadd.s32 $0xFFFFF000  }
0x188: {  	[tilespmem:s9], [sflag:$0x2] =	stream.indirect.gather [hbm4b:s25+s7], $0x20, s20, s7, $0xb8;
	[tilespmem:$0x2600] =	vst v63  }
0x189: {  	_ =	swait.ge [sflag:s10], $0x1000  }
0x18a: {  	[sflag:s10] =	ssyncset.done $0x0  }
0x18b: {  	[sflag:s10] =	ssyncadd.s32 $0xFFFFF000  }
0x18c: {  	[hbm4b:s28+s2] =	stream.linear.scatter [tilespmem:s8], [sflag:$0x3], $0x1000, $0x38;
	[tilespmem:$0x2600] =	vst v63  }
0x18d: {  	_ =	swait.ge [sflag:s3], $0x1000  }
0x18e: {  	[sflag:s3] =	ssyncset.done $0x0  }
0x18f: {  	[sflag:s3] =	ssyncadd.s32 $0xFFFFF000  }
0x190: {  	[tilespmem:s8], [sflag:$0x1] =	stream.indirect.gather [hbm4b:s25+s7], $0x20, s21, s7, $0xb8;
	[tilespmem:$0x2600] =	vst v63  }
0x191: {  	_ =	swait.ge [sflag:s12], $0x1000  }
0x192: {  	[sflag:s12] =	ssyncset.done $0x0  }
0x193: {  	[sflag:s12] =	ssyncadd.s32 $0xFFFFF000  }
0x194: {  	[hbm4b:s29+s2] =	stream.linear.scatter [tilespmem:s9], [sflag:$0x3], $0x1000, $0x38;
	[tilespmem:$0x2600] =	vst v63  }
0x195: {  	_ =	swait.ge [sflag:s3], $0x1000  }
0x196: {  	[sflag:s3] =	ssyncset.done $0x0  }
0x197: {  	[sflag:s3] =	ssyncadd.s32 $0xFFFFF000  }
0x198: {  	[tilespmem:s9], [sflag:$0x2] =	stream.indirect.gather [hbm4b:s25+s7], $0x20, s22, s7, $0xb8;
	[tilespmem:$0x2600] =	vst v63  }
0x199: {  	_ =	swait.ge [sflag:s10], $0x1000  }
0x19a: {  	[sflag:s10] =	ssyncset.done $0x0  }
0x19b: {  	[sflag:s10] =	ssyncadd.s32 $0xFFFFF000  }
0x19c: {  	[hbm4b:s30+s2] =	stream.linear.scatter [tilespmem:s8], [sflag:$0x3], $0x1000, $0x38;
	[tilespmem:$0x2600] =	vst v63  }
0x19d: {  	_ =	swait.ge [sflag:s3], $0x1000  }
0x19e: {  	[sflag:s3] =	ssyncset.done $0x0  }
0x19f: {  	p0 =	sne.s32 s1, $0x1;
	[sflag:s3] =	ssyncadd.s32 $0xFFFFF000  }
.Ltmp1:
0x1a0: {  	_ =	swait.ge [sflag:s12], $0x1000;
	(pc) =	sbr.rel @p0 .LBB2_1-.Ltmp1, $4  }
0x1a1: {  	[sflag:s12] =	ssyncset.done $0x0  }
0x1a2: {  	[sflag:s12] =	ssyncadd.s32 $0xFFFFF000  }
0x1a3: {  	[hbm4b:s31+s2] =	stream.linear.scatter [tilespmem:s9], [sflag:$0x3], $0x1000, $0x38;
	[tilespmem:$0x2600] =	vst v63  }
0x1a4: {  	s1 =	sadd.s32 $0xFFFFFFFF, s1;
	_ =	swait.ge [sflag:s3], $0x1000  }
.LBB2_2:
0x1a5: {  	[sflag:s3] =	ssyncset.done $0x0  }
0x1a6: {  	[sflag:s3] =	ssyncadd.s32 $0xFFFFF000  }
0x1a7: {  	_ =	sfence.sel $0x180000  }
0x1a8: {  	[bflag:$0x0] =	sbarrier.arrive $0xFFFF  }
0x1a9: {  	_ =	strace $0x90000047  }
0x1aa: {  	s0 =	stileid.u32;
	[bflag:$0x2] =	sbarrier.arrive $0xFFFF  }
0x1ab: {  	p0 =	sne.s32 s0, $0x0;
	s0 =	rddreg [dreg:$0x1]  }
0x1ac: {  	s0 =	sadd.s32 @!p0 $0x100000, s0  }
0x1ad: {  	[sflag:s0] =	ssyncadd.tile.s32 @!p0 $0x1;
	_ =	shalt  }
.Lfunc_end2:
_tile_overlayer_lowered:
.L_overlay_start_2:
0x1ae: {  	(tag) =	ssettag $0x2  }
0x1af: {  	s0 =	rddreg [dreg:$0x0];
	s2 =	stileid.u32  }
0x1b0: {  	s1 =	rddreg [dreg:$0x1];
	p0 =	sne.s32 s2, $0x0  }
0x1b1: {  	s3 =	rddreg [dreg:$0x2];
	[bflag:$0x3] =	sbarrier.arrive $0xFFFF;
	s2 =	simm.s32 @!p0 $0x1C03  }
0x1b2: {  	[timem:s3], [sflag:s2] =	dma.local @!p0 [hbm:s0], s1  }
0x1b3: {  	s0 =	simm.s32 @!p0 $0x3  }
0x1b4: {  	_ =	swait.ge @!p0 [sflag:s0], s1  }
0x1b5: {  	s1 =	ssub.s32 @!p0 $0x0, s1;
	[sflag:s0] =	ssyncset.done @!p0 $0x0  }
0x1b6: {  	[sflag:s0] =	ssyncadd.s32 @!p0 s1  }
0x1b7: {  	[bflag:$0x3] =	sbarrier.arrive $0xFFFF  }
0x1b8: {  	_ =	shalt  }

</sc_bundles>
